<compile_context>
chip_gen: v7x
topology: tpu7x:2x2x1
jax: 0.10.2.dev20260603
libtpu: 0.0.44.dev20260713+nightly
codegen_flags: <defaults>
</compile_context>

<pallas_src>
import functools

import jax
import jax.numpy as jnp
from jax import lax
from jax.experimental import pallas as pl
from jax.experimental.pallas import tpu as pltpu
from jax.experimental.pallas import tpu_sc as plsc

N = 10000
E = 320000
D = 128
DS = 64
ALPHA = 0.2

NC = 2
NS = 16
EPT = E // NS
K = 80
NB = EPT // K
NP_ = 10240
RPT = NP_ // NS
ZR = 128
G = K // 16

_TC_ROWS = 1000
_GRID = N // _TC_ROWS


def _prep_body(x_ref, w_ref, a1_ref, a2_ref, hs_ref, f1_ref, f2_ref):
    h = jnp.dot(x_ref[...], w_ref[...], preferred_element_type=jnp.float32)
    hs_ref[0, :, :] = h[:, :DS]
    hs_ref[1, :, :] = h[:, DS:]
    f1_ref[...] = jnp.dot(h, a1_ref[...], preferred_element_type=jnp.float32)
    f2_ref[...] = jnp.dot(h, a2_ref[...], preferred_element_type=jnp.float32)


def _prep(x, W, a1, a2):
    return pl.pallas_call(
        _prep_body,
        grid=(_GRID,),
        in_specs=[
            pl.BlockSpec((_TC_ROWS, D), lambda i: (i, 0)),
            pl.BlockSpec((D, D), lambda i: (0, 0)),
            pl.BlockSpec((D, 1), lambda i: (0, 0)),
            pl.BlockSpec((D, 1), lambda i: (0, 0)),
        ],
        out_specs=[
            pl.BlockSpec((2, _TC_ROWS, DS), lambda i: (0, i, 0)),
            pl.BlockSpec((_TC_ROWS, 1), lambda i: (i, 0)),
            pl.BlockSpec((_TC_ROWS, 1), lambda i: (i, 0)),
        ],
        out_shape=[
            jax.ShapeDtypeStruct((2, N, DS), jnp.float32),
            jax.ShapeDtypeStruct((N, 1), jnp.float32),
            jax.ShapeDtypeStruct((N, 1), jnp.float32),
        ],
    )(x, W, a1, a2)


def _finish_body(p0_ref, p1_ref, rs0_ref, rs1_ref, out_ref):
    rs = rs0_ref[...] + rs1_ref[...] + 1e-15
    r = jnp.concatenate([p0_ref[...], p1_ref[...]], axis=1) / rs
    out_ref[...] = jnp.where(r > 0, r, jnp.exp(jnp.minimum(r, 0.0)) - 1.0)


def _finish(hp2, rs):
    grid = NP_ // RPT
    return pl.pallas_call(
        _finish_body,
        grid=(grid,),
        in_specs=[
            pl.BlockSpec((RPT, DS), lambda i: (i, 0)),
            pl.BlockSpec((RPT, DS), lambda i: (i + NP_ // RPT, 0)),
            pl.BlockSpec((RPT, 1), lambda i: (i, 0)),
            pl.BlockSpec((RPT, 1), lambda i: (i + NP_ // RPT, 0)),
        ],
        out_specs=pl.BlockSpec((RPT, D), lambda i: (i, 0)),
        out_shape=jax.ShapeDtypeStruct((NP_, D), jnp.float32),
    )(hp2, hp2, rs, rs)


def _sc_edge_factory():
    mesh = plsc.VectorSubcoreMesh(core_axis_name="c", subcore_axis_name="s")

    @functools.partial(
        pl.kernel,
        out_type=[
            jax.ShapeDtypeStruct((2 * NP_, DS), jnp.float32),
            jax.ShapeDtypeStruct((2, NP_), jnp.float32),
        ],
        mesh=mesh,
        compiler_params=pltpu.CompilerParams(needs_layout_passes=False,
                                             use_tc_tiling_on_sc=False),
        scratch_types=[
            pltpu.VMEM((NB, K), jnp.int32),
            pltpu.VMEM((NB, K), jnp.int32),
            pltpu.VMEM((N,), jnp.float32),
            pltpu.VMEM((N,), jnp.float32),
            pltpu.VMEM((2, K), jnp.float32),
            pltpu.VMEM((ZR, DS), jnp.float32),
            pltpu.VMEM((RPT,), jnp.float32),
            pltpu.VMEM((4, K, DS), jnp.float32),
            pltpu.VMEM_SHARED((NP_, DS), jnp.float32),
            pltpu.VMEM_SHARED((NP_,), jnp.float32),
            pltpu.SemaphoreType.DMA((4,)),
            pltpu.SemaphoreType.DMA((4,)),
            pltpu.SemaphoreType.DMA((2,)),
        ],
    )
    def sc_edge(src_hbm, dst_hbm, f1_hbm, f2_hbm, h_hbm, hp_out, rs_out,
                src_v, dst_v, f1_v, f2_v, ev2, zb_v, zr_v, rows4, acc,
                rs_acc, gsem4, ssem4, rsem2):
        cid = lax.axis_index("c")
        sid = lax.axis_index("s")
        hs = h_hbm.at[cid]

        pltpu.sync_copy(src_hbm.at[sid], src_v)
        pltpu.sync_copy(dst_hbm.at[sid], dst_v)
        pltpu.sync_copy(f1_hbm, f1_v)
        pltpu.sync_copy(f2_hbm, f2_v)

        def _zero_row(r):
            for c in range(DS // 16):
                zb_v[r, pl.ds(c * 16, 16)] = jnp.zeros((16,), jnp.float32)
        pl.loop(0, ZR)(_zero_row)

        def _zero_rs(r):
            zr_v[pl.ds(r * 16, 16)] = jnp.zeros((16,), jnp.float32)
        pl.loop(0, RPT // 16)(_zero_rs)

        for z in range(RPT // ZR):
            pltpu.sync_copy(zb_v, acc.at[pl.ds(sid * RPT + z * ZR, ZR)])
        pltpu.sync_copy(zr_v, rs_acc.at[pl.ds(sid * RPT, RPT)])
        plsc.subcore_barrier()

        def _ev_batch(b, pe):
            for g in range(G):
                s16 = src_v[b, pl.ds(g * 16, 16)]
                d16 = dst_v[b, pl.ds(g * 16, 16)]
                v = (plsc.load_gather(f1_v, [s16])
                     + plsc.load_gather(f2_v, [d16]))
                v = jnp.maximum(v, ALPHA * v)
                ev2[pe, pl.ds(g * 16, 16)] = jnp.exp(v)

        def _start_g(b, p):
            pltpu.async_copy(hs.at[dst_v.at[b]], rows4.at[p], gsem4.at[p])

        def _wait_g(b, p):
            pltpu.make_async_copy(hs.at[dst_v.at[b]], rows4.at[p],
                                  gsem4.at[p]).wait()

        def _start_s(b, p):
            pltpu.async_copy(rows4.at[p], acc.at[src_v.at[b]], ssem4.at[p],
                             add=True)

        def _wait_s(b, p):
            pltpu.make_async_copy(rows4.at[p], acc.at[src_v.at[b]],
                                  ssem4.at[p]).wait()

        def _start_rs(b, pe):
            pltpu.async_copy(ev2.at[pe], rs_acc.at[src_v.at[b]],
                             rsem2.at[pe], add=True)

        def _wait_rs(b, pe):
            pltpu.make_async_copy(ev2.at[pe], rs_acc.at[src_v.at[b]],
                                  rsem2.at[pe]).wait()

        def _slot(b):
            p = lax.rem(b, 4)
            pe = lax.rem(b, 2)

            @pl.when(jnp.logical_and(b >= 2, pe == cid))
            def _():
                _wait_rs(b - 2, pe)
            _ev_batch(b, pe)

            _wait_g(b, p)

            def _scale_g(g):
                ev16 = ev2[pe, pl.ds(g * 16, 16)]
                for e0 in range(16):
                    sc = ev16[e0]
                    r = g * 16 + e0
                    for c in range(DS // 16):
                        rows4[p, r, pl.ds(c * 16, 16)] = (
                            rows4[p, r, pl.ds(c * 16, 16)] * sc)
            pl.loop(0, G)(_scale_g)

            _start_s(b, p)

            @pl.when(pe == cid)
            def _():
                _start_rs(b, pe)

            q = lax.rem(b + 2, 4)

            @pl.when(b >= 2)
            def _():
                _wait_s(b - 2, q)

            @pl.when(b + 2 < NB)
            def _():
                _start_g(b + 2, q)

        _start_g(0, 0)
        _start_g(1, 1)
        pl.loop(0, NB)(_slot)
        _wait_s(NB - 2, lax.rem(NB - 2, 4))
        _wait_s(NB - 1, lax.rem(NB - 1, 4))

        @pl.when(cid == 0)
        def _():
            _wait_rs(NB - 2, 0)

        @pl.when(cid == 1)
        def _():
            _wait_rs(NB - 1, 1)
        plsc.subcore_barrier()

        pltpu.sync_copy(acc.at[pl.ds(sid * RPT, RPT)],
                        hp_out.at[pl.ds(cid * NP_ + sid * RPT, RPT)])

        pltpu.sync_copy(rs_acc.at[pl.ds(sid * RPT, RPT)],
                        rs_out.at[cid].at[pl.ds(sid * RPT, RPT)])

    return sc_edge


_sc_edge = _sc_edge_factory()


def kernel(inputs, edge_index, W, a):
    a1 = a[0, :D].reshape(D, 1)
    a2 = a[0, D:].reshape(D, 1)
    h_sp, f1, f2 = _prep(inputs, W, a1, a2)
    src3d = edge_index[0].reshape(NS, NB, K)
    dst3d = edge_index[1].reshape(NS, NB, K)
    hp2, rs = _sc_edge(src3d, dst3d, f1.reshape(N), f2.reshape(N), h_sp)
    return _finish(hp2, rs.reshape(2 * NP_, 1))[:N]

# --- scband reference (transcript-rebuilt; emitter-appended) ---
"""Pipeline reference for scband-spgat-6751688589922 (READ-ONLY COPY).

The authoritative reference and input builder live on the scoring server;
editing this copy changes nothing except your own understanding.
"""

import jax, jax.numpy as jnp
import numpy as np

N = 10000
E = 320000
D_IN = 128
D_OUT = 128
ALPHA = 0.2


def setup_inputs(seed: int = 0) -> dict:
    key = jax.random.key(seed)
    k1, k2, k3, k4 = jax.random.split(key, 4)
    inputs = jax.random.normal(k1, (N, D_IN), dtype=jnp.float32)
    edge_index = jax.random.randint(k2, (2, E), 0, N, dtype=jnp.int32)
    # xavier_normal_ with gain=1.414
    w_std = 1.414 * np.sqrt(2.0 / (D_IN + D_OUT))
    W = jax.random.normal(k3, (D_IN, D_OUT), dtype=jnp.float32) * w_std
    a_std = 1.414 * np.sqrt(2.0 / (1 + 2 * D_OUT))
    a = jax.random.normal(k4, (1, 2 * D_OUT), dtype=jnp.float32) * a_std
    return {"inputs": inputs, "edge_index": edge_index, "W": W, "a": a}


def reference(inputs, edge_index, W, a):
    # dropout=0.0 -> identity; concat=True -> ELU output
    n = inputs.shape[0]
    h = inputs @ W  # [N, D_OUT]
    src = edge_index[0, :]
    dst = edge_index[1, :]
    edge_h = jnp.concatenate([h[src, :], h[dst, :]], axis=1)  # [E, 2*D_OUT]
    values = edge_h @ a[0]  # [E]
    edge_value_a = jax.nn.leaky_relu(values, negative_slope=ALPHA)
    edge_value = jnp.exp(edge_value_a - jnp.max(edge_value_a))  # [E]
    # e_rowsum = A @ ones([N,1]) : sum of edge values per row (src)
    e_rowsum = jax.ops.segment_sum(edge_value, src, num_segments=n)[:, None]  # [N,1]
    # h_prime = A @ h : scatter-add of edge_value * h[dst] into src rows
    h_prime = jax.ops.segment_sum(edge_value[:, None] * h[dst, :], src, num_segments=n)  # [N, D_OUT]
    h_prime = h_prime / (e_rowsum + 1e-15)
    return jax.nn.elu(h_prime)

if __name__ == "__main__":
    import jax
    _d = setup_inputs()
    print(jax.jit(kernel)(*tuple(_d.values())))

</pallas_src>

<mosaic_0001>
#map = affine_map<(d0, d1) -> (0, 0, 0)>
#map1 = affine_map<(d0, d1) -> (0)>
#map2 = affine_map<(d0, d1) -> (0, 0)>
module attributes {stable_mosaic.version = 14 : i64} {
  func.func @sc_edge(%arg0: i32, %arg1: i32, %arg2: memref<16x250x80xi32, #tpu.memory_space<hbm>>, %arg3: memref<16x250x80xi32, #tpu.memory_space<hbm>>, %arg4: memref<10000xf32, #tpu.memory_space<hbm>>, %arg5: memref<10000xf32, #tpu.memory_space<hbm>>, %arg6: memref<2x10000x64xf32, #tpu.memory_space<hbm>>, %arg7: memref<20480x64xf32, #tpu.memory_space<hbm>>, %arg8: memref<2x10240xf32, #tpu.memory_space<hbm>>, %arg9: memref<250x80xi32, #tpu.memory_space<vmem>>, %arg10: memref<250x80xi32, #tpu.memory_space<vmem>>, %arg11: memref<10000xf32, #tpu.memory_space<vmem>>, %arg12: memref<10000xf32, #tpu.memory_space<vmem>>, %arg13: memref<2x80xf32, #tpu.memory_space<vmem>>, %arg14: memref<128x64xf32, #tpu.memory_space<vmem>>, %arg15: memref<640xf32, #tpu.memory_space<vmem>>, %arg16: memref<4x80x64xf32, #tpu.memory_space<vmem>>, %arg17: memref<10240x64xf32, #tpu.memory_space<vmem_shared>>, %arg18: memref<10240xf32, #tpu.memory_space<vmem_shared>>, %arg19: memref<4x!tpu.dma_semaphore, #tpu.memory_space<semaphore_mem>>, %arg20: memref<4x!tpu.dma_semaphore, #tpu.memory_space<semaphore_mem>>, %arg21: memref<2x!tpu.dma_semaphore, #tpu.memory_space<semaphore_mem>>) attributes {dimension_semantics = [#tpu.dimension_semantics<core_parallel>, #tpu.dimension_semantics<subcore_parallel>], iteration_bounds = array<i64: 2, 16>, scalar_prefetch = 0 : i64, scratch_operands = 13 : i64, tpu.core_type = #tpu.core_type<sc_vector_subcore>, window_params = [{transform_indices = #map}, {transform_indices = #map}, {transform_indices = #map1}, {transform_indices = #map1}, {transform_indices = #map}, {transform_indices = #map2}, {transform_indices = #map2}]} {
    "tpu.region"() ({
      %run_scoped3A = tpu.sem_alloc : memref<!tpu.dma_semaphore, #tpu.memory_space<semaphore_mem>>
      %dma_start3A_120 = arith.constant 0 : i32
      %dma_start3A_121 = arith.constant 0 : i32
      %dma_start3A_122 = tpu.memref_slice %arg2[%arg1, %dma_start3A_120, %dma_start3A_121] : memref<16x250x80xi32, #tpu.memory_space<hbm>> -> memref<1x250x80xi32, #tpu.memory_space<hbm>>
      %dma_start3A_123 = tpu.memref_squeeze %dma_start3A_122 : memref<1x250x80xi32, #tpu.memory_space<hbm>> -> memref<250x80xi32, #tpu.memory_space<hbm>>
      %dma_start3A_124 = arith.constant 0 : i32
      %dma_start3A_125 = arith.constant 0 : i32
      %dma_start3A_126 = tpu.memref_slice %arg2[%arg1, %dma_start3A_124, %dma_start3A_125] : memref<16x250x80xi32, #tpu.memory_space<hbm>> -> memref<1x250x80xi32, #tpu.memory_space<hbm>>
      %dma_start3A_127 = tpu.memref_squeeze %dma_start3A_126 : memref<1x250x80xi32, #tpu.memory_space<hbm>> -> memref<250x80xi32, #tpu.memory_space<hbm>>
      tpu.enqueue_dma source(%dma_start3A_127 : memref<250x80xi32, #tpu.memory_space<hbm>>) target(%arg9 : memref<250x80xi32, #tpu.memory_space<vmem>>) target_semaphore(%run_scoped3A : memref<!tpu.dma_semaphore, #tpu.memory_space<semaphore_mem>>)
      %dma_wait3A_128 = arith.constant 0 : i32
      %dma_wait3A_129 = arith.constant 0 : i32
      %dma_wait3A_130 = tpu.memref_slice %arg2[%arg1, %dma_wait3A_128, %dma_wait3A_129] : memref<16x250x80xi32, #tpu.memory_space<hbm>> -> memref<1x250x80xi32, #tpu.memory_space<hbm>>
      %dma_wait3A_131 = tpu.memref_squeeze %dma_wait3A_130 : memref<1x250x80xi32, #tpu.memory_space<hbm>> -> memref<250x80xi32, #tpu.memory_space<hbm>>
      %dma_wait3A_132 = arith.constant 0 : i32
      %dma_wait3A_133 = arith.constant 0 : i32
      %dma_wait3A_134 = tpu.memref_slice %arg2[%arg1, %dma_wait3A_132, %dma_wait3A_133] : memref<16x250x80xi32, #tpu.memory_space<hbm>> -> memref<1x250x80xi32, #tpu.memory_space<hbm>>
      %dma_wait3A_135 = tpu.memref_squeeze %dma_wait3A_134 : memref<1x250x80xi32, #tpu.memory_space<hbm>> -> memref<250x80xi32, #tpu.memory_space<hbm>>
      tpu.wait_dma2 semaphore(%run_scoped3A : memref<!tpu.dma_semaphore, #tpu.memory_space<semaphore_mem>>) src(%dma_wait3A_135 : memref<250x80xi32, #tpu.memory_space<hbm>>) dst(%arg9 : memref<250x80xi32, #tpu.memory_space<vmem>>)
      tpu.yield
    }) : () -> ()
    "tpu.region"() ({
      %run_scoped3A = tpu.sem_alloc : memref<!tpu.dma_semaphore, #tpu.memory_space<semaphore_mem>>
      %dma_start3A_120 = arith.constant 0 : i32
      %dma_start3A_121 = arith.constant 0 : i32
      %dma_start3A_122 = tpu.memref_slice %arg3[%arg1, %dma_start3A_120, %dma_start3A_121] : memref<16x250x80xi32, #tpu.memory_space<hbm>> -> memref<1x250x80xi32, #tpu.memory_space<hbm>>
      %dma_start3A_123 = tpu.memref_squeeze %dma_start3A_122 : memref<1x250x80xi32, #tpu.memory_space<hbm>> -> memref<250x80xi32, #tpu.memory_space<hbm>>
      %dma_start3A_124 = arith.constant 0 : i32
      %dma_start3A_125 = arith.constant 0 : i32
      %dma_start3A_126 = tpu.memref_slice %arg3[%arg1, %dma_start3A_124, %dma_start3A_125] : memref<16x250x80xi32, #tpu.memory_space<hbm>> -> memref<1x250x80xi32, #tpu.memory_space<hbm>>
      %dma_start3A_127 = tpu.memref_squeeze %dma_start3A_126 : memref<1x250x80xi32, #tpu.memory_space<hbm>> -> memref<250x80xi32, #tpu.memory_space<hbm>>
      tpu.enqueue_dma source(%dma_start3A_127 : memref<250x80xi32, #tpu.memory_space<hbm>>) target(%arg10 : memref<250x80xi32, #tpu.memory_space<vmem>>) target_semaphore(%run_scoped3A : memref<!tpu.dma_semaphore, #tpu.memory_space<semaphore_mem>>)
      %dma_wait3A_128 = arith.constant 0 : i32
      %dma_wait3A_129 = arith.constant 0 : i32
      %dma_wait3A_130 = tpu.memref_slice %arg3[%arg1, %dma_wait3A_128, %dma_wait3A_129] : memref<16x250x80xi32, #tpu.memory_space<hbm>> -> memref<1x250x80xi32, #tpu.memory_space<hbm>>
      %dma_wait3A_131 = tpu.memref_squeeze %dma_wait3A_130 : memref<1x250x80xi32, #tpu.memory_space<hbm>> -> memref<250x80xi32, #tpu.memory_space<hbm>>
      %dma_wait3A_132 = arith.constant 0 : i32
      %dma_wait3A_133 = arith.constant 0 : i32
      %dma_wait3A_134 = tpu.memref_slice %arg3[%arg1, %dma_wait3A_132, %dma_wait3A_133] : memref<16x250x80xi32, #tpu.memory_space<hbm>> -> memref<1x250x80xi32, #tpu.memory_space<hbm>>
      %dma_wait3A_135 = tpu.memref_squeeze %dma_wait3A_134 : memref<1x250x80xi32, #tpu.memory_space<hbm>> -> memref<250x80xi32, #tpu.memory_space<hbm>>
      tpu.wait_dma2 semaphore(%run_scoped3A : memref<!tpu.dma_semaphore, #tpu.memory_space<semaphore_mem>>) src(%dma_wait3A_135 : memref<250x80xi32, #tpu.memory_space<hbm>>) dst(%arg10 : memref<250x80xi32, #tpu.memory_space<vmem>>)
      tpu.yield
    }) : () -> ()
    "tpu.region"() ({
      %run_scoped3A = tpu.sem_alloc : memref<!tpu.dma_semaphore, #tpu.memory_space<semaphore_mem>>
      tpu.enqueue_dma source(%arg4 : memref<10000xf32, #tpu.memory_space<hbm>>) target(%arg11 : memref<10000xf32, #tpu.memory_space<vmem>>) target_semaphore(%run_scoped3A : memref<!tpu.dma_semaphore, #tpu.memory_space<semaphore_mem>>)
      tpu.wait_dma2 semaphore(%run_scoped3A : memref<!tpu.dma_semaphore, #tpu.memory_space<semaphore_mem>>) src(%arg4 : memref<10000xf32, #tpu.memory_space<hbm>>) dst(%arg11 : memref<10000xf32, #tpu.memory_space<vmem>>)
      tpu.yield
    }) : () -> ()
    "tpu.region"() ({
      %run_scoped3A = tpu.sem_alloc : memref<!tpu.dma_semaphore, #tpu.memory_space<semaphore_mem>>
      tpu.enqueue_dma source(%arg5 : memref<10000xf32, #tpu.memory_space<hbm>>) target(%arg12 : memref<10000xf32, #tpu.memory_space<vmem>>) target_semaphore(%run_scoped3A : memref<!tpu.dma_semaphore, #tpu.memory_space<semaphore_mem>>)
      tpu.wait_dma2 semaphore(%run_scoped3A : memref<!tpu.dma_semaphore, #tpu.memory_space<semaphore_mem>>) src(%arg5 : memref<10000xf32, #tpu.memory_space<hbm>>) dst(%arg12 : memref<10000xf32, #tpu.memory_space<vmem>>)
      tpu.yield
    }) : () -> ()
    %scan3A = arith.constant 0 : i32
    %scan3A_0 = arith.constant 128 : i32
    %scan3A_1 = arith.addi %scan3A, %scan3A_0 : i32
    %scan3A_2 = arith.constant 1 : i32
    scf.for %scan3A_120 = %scan3A to %scan3A_1 step %scan3A_2  : i32 {
      %mul3A_121 = arith.constant 1 : i32
      %mul3A_122 = arith.muli %scan3A_120, %mul3A_121 : i32
      %add3A_123 = arith.constant 0 : i32
      %add3A_124 = arith.addi %add3A_123, %mul3A_122 : i32
      %broadcast_in_dim3A = arith.constant 0.000000e+00 : f32
      %broadcast_in_dim3A_125 = vector.broadcast %broadcast_in_dim3A : f32 to vector<16xf32>
      %swap3A = arith.index_cast %add3A_124 : i32 to index
      %swap3A_126 = arith.constant 0 : index
      %swap3A_127 = tpu.vector_load %arg14[%swap3A, %swap3A_126] {strides = array<i32>} : memref<128x64xf32, #tpu.memory_space<vmem>>, vector<16xf32>,
      tpu.vector_store %arg14[%swap3A, %swap3A_126], %broadcast_in_dim3A_125 {strides = array<i32>} : memref<128x64xf32, #tpu.memory_space<vmem>>, vector<16xf32>,
      %broadcast_in_dim3A_128 = arith.constant 0.000000e+00 : f32
      %broadcast_in_dim3A_129 = vector.broadcast %broadcast_in_dim3A_128 : f32 to vector<16xf32>
      %swap3A_130 = arith.index_cast %add3A_124 : i32 to index
      %swap3A_131 = arith.constant 16 : index
      %swap3A_132 = tpu.vector_load %arg14[%swap3A_130, %swap3A_131] {strides = array<i32>} : memref<128x64xf32, #tpu.memory_space<vmem>>, vector<16xf32>,
      tpu.vector_store %arg14[%swap3A_130, %swap3A_131], %broadcast_in_dim3A_129 {strides = array<i32>} : memref<128x64xf32, #tpu.memory_space<vmem>>, vector<16xf32>,
      %broadcast_in_dim3A_133 = arith.constant 0.000000e+00 : f32
      %broadcast_in_dim3A_134 = vector.broadcast %broadcast_in_dim3A_133 : f32 to vector<16xf32>
      %swap3A_135 = arith.index_cast %add3A_124 : i32 to index
      %swap3A_136 = arith.constant 32 : index
      %swap3A_137 = tpu.vector_load %arg14[%swap3A_135, %swap3A_136] {strides = array<i32>} : memref<128x64xf32, #tpu.memory_space<vmem>>, vector<16xf32>,
      tpu.vector_store %arg14[%swap3A_135, %swap3A_136], %broadcast_in_dim3A_134 {strides = array<i32>} : memref<128x64xf32, #tpu.memory_space<vmem>>, vector<16xf32>,
      %broadcast_in_dim3A_138 = arith.constant 0.000000e+00 : f32
      %broadcast_in_dim3A_139 = vector.broadcast %broadcast_in_dim3A_138 : f32 to vector<16xf32>
      %swap3A_140 = arith.index_cast %add3A_124 : i32 to index
      %swap3A_141 = arith.constant 48 : index
      %swap3A_142 = tpu.vector_load %arg14[%swap3A_140, %swap3A_141] {strides = array<i32>} : memref<128x64xf32, #tpu.memory_space<vmem>>, vector<16xf32>,
      tpu.vector_store %arg14[%swap3A_140, %swap3A_141], %broadcast_in_dim3A_139 {strides = array<i32>} : memref<128x64xf32, #tpu.memory_space<vmem>>, vector<16xf32>,
    }
    %scan3A_3 = arith.constant 128 : i32
    %scan3A_4 = arith.constant 0 : i32
    %scan3A_5 = arith.constant 40 : i32
    %scan3A_6 = arith.addi %scan3A_4, %scan3A_5 : i32
    %scan3A_7 = arith.constant 1 : i32
    scf.for %scan3A_120 = %scan3A_4 to %scan3A_6 step %scan3A_7  : i32 {
      %mul3A_121 = arith.constant 1 : i32
      %mul3A_122 = arith.muli %scan3A_120, %mul3A_121 : i32
      %add3A_123 = arith.constant 0 : i32
      %add3A_124 = arith.addi %add3A_123, %mul3A_122 : i32
      %broadcast_in_dim3A = arith.constant 0.000000e+00 : f32
      %broadcast_in_dim3A_125 = vector.broadcast %broadcast_in_dim3A : f32 to vector<16xf32>
      %mul3A_126 = arith.constant 16 : i32
      %mul3A_127 = arith.muli %add3A_124, %mul3A_126 : i32
      %swap3A = arith.index_cast %mul3A_127 : i32 to index
      %swap3A_128 = tpu.vector_load %arg15[%swap3A] {strides = array<i32>} : memref<640xf32, #tpu.memory_space<vmem>>, vector<16xf32>,
      tpu.vector_store %arg15[%swap3A], %broadcast_in_dim3A_125 {strides = array<i32>} : memref<640xf32, #tpu.memory_space<vmem>>, vector<16xf32>,
    }
    %scan3A_8 = arith.constant 40 : i32
    %mul3A = arith.constant 640 : i32
    %mul3A_9 = arith.muli %arg1, %mul3A : i32
    %add3A = arith.constant 0 : i32
    %add3A_10 = arith.addi %mul3A_9, %add3A : i32
    "tpu.region"() ({
      %run_scoped3A = tpu.sem_alloc : memref<!tpu.dma_semaphore, #tpu.memory_space<semaphore_mem>>
      %dma_start3A_120 = arith.constant 0 : i32
      %dma_start3A_121 = tpu.memref_slice %arg17[%add3A_10, %dma_start3A_120] : memref<10240x64xf32, #tpu.memory_space<vmem_shared>> -> memref<128x64xf32, #tpu.memory_space<vmem_shared>>
      %dma_start3A_122 = arith.constant 0 : i32
      %dma_start3A_123 = tpu.memref_slice %arg17[%add3A_10, %dma_start3A_122] : memref<10240x64xf32, #tpu.memory_space<vmem_shared>> -> memref<128x64xf32, #tpu.memory_space<vmem_shared>>
      tpu.enqueue_dma source(%arg14 : memref<128x64xf32, #tpu.memory_space<vmem>>) target(%dma_start3A_123 : memref<128x64xf32, #tpu.memory_space<vmem_shared>>) target_semaphore(%run_scoped3A : memref<!tpu.dma_semaphore, #tpu.memory_space<semaphore_mem>>)
      %dma_wait3A_124 = arith.constant 0 : i32
      %dma_wait3A_125 = tpu.memref_slice %arg17[%add3A_10, %dma_wait3A_124] : memref<10240x64xf32, #tpu.memory_space<vmem_shared>> -> memref<128x64xf32, #tpu.memory_space<vmem_shared>>
      %dma_wait3A_126 = arith.constant 0 : i32
      %dma_wait3A_127 = tpu.memref_slice %arg17[%add3A_10, %dma_wait3A_126] : memref<10240x64xf32, #tpu.memory_space<vmem_shared>> -> memref<128x64xf32, #tpu.memory_space<vmem_shared>>
      tpu.wait_dma2 semaphore(%run_scoped3A : memref<!tpu.dma_semaphore, #tpu.memory_space<semaphore_mem>>) src(%arg14 : memref<128x64xf32, #tpu.memory_space<vmem>>) dst(%dma_wait3A_127 : memref<128x64xf32, #tpu.memory_space<vmem_shared>>)
      tpu.yield
    }) : () -> ()
    %mul3A_11 = arith.constant 640 : i32
    %mul3A_12 = arith.muli %arg1, %mul3A_11 : i32
    %add3A_13 = arith.constant 128 : i32
    %add3A_14 = arith.addi %mul3A_12, %add3A_13 : i32
    "tpu.region"() ({
      %run_scoped3A = tpu.sem_alloc : memref<!tpu.dma_semaphore, #tpu.memory_space<semaphore_mem>>
      %dma_start3A_120 = arith.constant 0 : i32
      %dma_start3A_121 = tpu.memref_slice %arg17[%add3A_14, %dma_start3A_120] : memref<10240x64xf32, #tpu.memory_space<vmem_shared>> -> memref<128x64xf32, #tpu.memory_space<vmem_shared>>
      %dma_start3A_122 = arith.constant 0 : i32
      %dma_start3A_123 = tpu.memref_slice %arg17[%add3A_14, %dma_start3A_122] : memref<10240x64xf32, #tpu.memory_space<vmem_shared>> -> memref<128x64xf32, #tpu.memory_space<vmem_shared>>
      tpu.enqueue_dma source(%arg14 : memref<128x64xf32, #tpu.memory_space<vmem>>) target(%dma_start3A_123 : memref<128x64xf32, #tpu.memory_space<vmem_shared>>) target_semaphore(%run_scoped3A : memref<!tpu.dma_semaphore, #tpu.memory_space<semaphore_mem>>)
      %dma_wait3A_124 = arith.constant 0 : i32
      %dma_wait3A_125 = tpu.memref_slice %arg17[%add3A_14, %dma_wait3A_124] : memref<10240x64xf32, #tpu.memory_space<vmem_shared>> -> memref<128x64xf32, #tpu.memory_space<vmem_shared>>
      %dma_wait3A_126 = arith.constant 0 : i32
      %dma_wait3A_127 = tpu.memref_slice %arg17[%add3A_14, %dma_wait3A_126] : memref<10240x64xf32, #tpu.memory_space<vmem_shared>> -> memref<128x64xf32, #tpu.memory_space<vmem_shared>>
      tpu.wait_dma2 semaphore(%run_scoped3A : memref<!tpu.dma_semaphore, #tpu.memory_space<semaphore_mem>>) src(%arg14 : memref<128x64xf32, #tpu.memory_space<vmem>>) dst(%dma_wait3A_127 : memref<128x64xf32, #tpu.memory_space<vmem_shared>>)
      tpu.yield
    }) : () -> ()
    %mul3A_15 = arith.constant 640 : i32
    %mul3A_16 = arith.muli %arg1, %mul3A_15 : i32
    %add3A_17 = arith.constant 256 : i32
    %add3A_18 = arith.addi %mul3A_16, %add3A_17 : i32
    "tpu.region"() ({
      %run_scoped3A = tpu.sem_alloc : memref<!tpu.dma_semaphore, #tpu.memory_space<semaphore_mem>>
      %dma_start3A_120 = arith.constant 0 : i32
      %dma_start3A_121 = tpu.memref_slice %arg17[%add3A_18, %dma_start3A_120] : memref<10240x64xf32, #tpu.memory_space<vmem_shared>> -> memref<128x64xf32, #tpu.memory_space<vmem_shared>>
      %dma_start3A_122 = arith.constant 0 : i32
      %dma_start3A_123 = tpu.memref_slice %arg17[%add3A_18, %dma_start3A_122] : memref<10240x64xf32, #tpu.memory_space<vmem_shared>> -> memref<128x64xf32, #tpu.memory_space<vmem_shared>>
      tpu.enqueue_dma source(%arg14 : memref<128x64xf32, #tpu.memory_space<vmem>>) target(%dma_start3A_123 : memref<128x64xf32, #tpu.memory_space<vmem_shared>>) target_semaphore(%run_scoped3A : memref<!tpu.dma_semaphore, #tpu.memory_space<semaphore_mem>>)
      %dma_wait3A_124 = arith.constant 0 : i32
      %dma_wait3A_125 = tpu.memref_slice %arg17[%add3A_18, %dma_wait3A_124] : memref<10240x64xf32, #tpu.memory_space<vmem_shared>> -> memref<128x64xf32, #tpu.memory_space<vmem_shared>>
      %dma_wait3A_126 = arith.constant 0 : i32
      %dma_wait3A_127 = tpu.memref_slice %arg17[%add3A_18, %dma_wait3A_126] : memref<10240x64xf32, #tpu.memory_space<vmem_shared>> -> memref<128x64xf32, #tpu.memory_space<vmem_shared>>
      tpu.wait_dma2 semaphore(%run_scoped3A : memref<!tpu.dma_semaphore, #tpu.memory_space<semaphore_mem>>) src(%arg14 : memref<128x64xf32, #tpu.memory_space<vmem>>) dst(%dma_wait3A_127 : memref<128x64xf32, #tpu.memory_space<vmem_shared>>)
      tpu.yield
    }) : () -> ()
    %mul3A_19 = arith.constant 640 : i32
    %mul3A_20 = arith.muli %arg1, %mul3A_19 : i32
    %add3A_21 = arith.constant 384 : i32
    %add3A_22 = arith.addi %mul3A_20, %add3A_21 : i32
    "tpu.region"() ({
      %run_scoped3A = tpu.sem_alloc : memref<!tpu.dma_semaphore, #tpu.memory_space<semaphore_mem>>
      %dma_start3A_120 = arith.constant 0 : i32
      %dma_start3A_121 = tpu.memref_slice %arg17[%add3A_22, %dma_start3A_120] : memref<10240x64xf32, #tpu.memory_space<vmem_shared>> -> memref<128x64xf32, #tpu.memory_space<vmem_shared>>
      %dma_start3A_122 = arith.constant 0 : i32
      %dma_start3A_123 = tpu.memref_slice %arg17[%add3A_22, %dma_start3A_122] : memref<10240x64xf32, #tpu.memory_space<vmem_shared>> -> memref<128x64xf32, #tpu.memory_space<vmem_shared>>
      tpu.enqueue_dma source(%arg14 : memref<128x64xf32, #tpu.memory_space<vmem>>) target(%dma_start3A_123 : memref<128x64xf32, #tpu.memory_space<vmem_shared>>) target_semaphore(%run_scoped3A : memref<!tpu.dma_semaphore, #tpu.memory_space<semaphore_mem>>)
      %dma_wait3A_124 = arith.constant 0 : i32
      %dma_wait3A_125 = tpu.memref_slice %arg17[%add3A_22, %dma_wait3A_124] : memref<10240x64xf32, #tpu.memory_space<vmem_shared>> -> memref<128x64xf32, #tpu.memory_space<vmem_shared>>
      %dma_wait3A_126 = arith.constant 0 : i32
      %dma_wait3A_127 = tpu.memref_slice %arg17[%add3A_22, %dma_wait3A_126] : memref<10240x64xf32, #tpu.memory_space<vmem_shared>> -> memref<128x64xf32, #tpu.memory_space<vmem_shared>>
      tpu.wait_dma2 semaphore(%run_scoped3A : memref<!tpu.dma_semaphore, #tpu.memory_space<semaphore_mem>>) src(%arg14 : memref<128x64xf32, #tpu.memory_space<vmem>>) dst(%dma_wait3A_127 : memref<128x64xf32, #tpu.memory_space<vmem_shared>>)
      tpu.yield
    }) : () -> ()
    %mul3A_23 = arith.constant 640 : i32
    %mul3A_24 = arith.muli %arg1, %mul3A_23 : i32
    %add3A_25 = arith.constant 512 : i32
    %add3A_26 = arith.addi %mul3A_24, %add3A_25 : i32
    "tpu.region"() ({
      %run_scoped3A = tpu.sem_alloc : memref<!tpu.dma_semaphore, #tpu.memory_space<semaphore_mem>>
      %dma_start3A_120 = arith.constant 0 : i32
      %dma_start3A_121 = tpu.memref_slice %arg17[%add3A_26, %dma_start3A_120] : memref<10240x64xf32, #tpu.memory_space<vmem_shared>> -> memref<128x64xf32, #tpu.memory_space<vmem_shared>>
      %dma_start3A_122 = arith.constant 0 : i32
      %dma_start3A_123 = tpu.memref_slice %arg17[%add3A_26, %dma_start3A_122] : memref<10240x64xf32, #tpu.memory_space<vmem_shared>> -> memref<128x64xf32, #tpu.memory_space<vmem_shared>>
      tpu.enqueue_dma source(%arg14 : memref<128x64xf32, #tpu.memory_space<vmem>>) target(%dma_start3A_123 : memref<128x64xf32, #tpu.memory_space<vmem_shared>>) target_semaphore(%run_scoped3A : memref<!tpu.dma_semaphore, #tpu.memory_space<semaphore_mem>>)
      %dma_wait3A_124 = arith.constant 0 : i32
      %dma_wait3A_125 = tpu.memref_slice %arg17[%add3A_26, %dma_wait3A_124] : memref<10240x64xf32, #tpu.memory_space<vmem_shared>> -> memref<128x64xf32, #tpu.memory_space<vmem_shared>>
      %dma_wait3A_126 = arith.constant 0 : i32
      %dma_wait3A_127 = tpu.memref_slice %arg17[%add3A_26, %dma_wait3A_126] : memref<10240x64xf32, #tpu.memory_space<vmem_shared>> -> memref<128x64xf32, #tpu.memory_space<vmem_shared>>
      tpu.wait_dma2 semaphore(%run_scoped3A : memref<!tpu.dma_semaphore, #tpu.memory_space<semaphore_mem>>) src(%arg14 : memref<128x64xf32, #tpu.memory_space<vmem>>) dst(%dma_wait3A_127 : memref<128x64xf32, #tpu.memory_space<vmem_shared>>)
      tpu.yield
    }) : () -> ()
    %mul3A_27 = arith.constant 640 : i32
    %mul3A_28 = arith.muli %arg1, %mul3A_27 : i32
    "tpu.region"() ({
      %run_scoped3A = tpu.sem_alloc : memref<!tpu.dma_semaphore, #tpu.memory_space<semaphore_mem>>
      %dma_start3A_120 = tpu.memref_slice %arg18[%mul3A_28] : memref<10240xf32, #tpu.memory_space<vmem_shared>> -> memref<640xf32, #tpu.memory_space<vmem_shared>>
      %dma_start3A_121 = tpu.memref_slice %arg18[%mul3A_28] : memref<10240xf32, #tpu.memory_space<vmem_shared>> -> memref<640xf32, #tpu.memory_space<vmem_shared>>
      tpu.enqueue_dma source(%arg15 : memref<640xf32, #tpu.memory_space<vmem>>) target(%dma_start3A_121 : memref<640xf32, #tpu.memory_space<vmem_shared>>) target_semaphore(%run_scoped3A : memref<!tpu.dma_semaphore, #tpu.memory_space<semaphore_mem>>)
      %dma_wait3A_122 = tpu.memref_slice %arg18[%mul3A_28] : memref<10240xf32, #tpu.memory_space<vmem_shared>> -> memref<640xf32, #tpu.memory_space<vmem_shared>>
      %dma_wait3A_123 = tpu.memref_slice %arg18[%mul3A_28] : memref<10240xf32, #tpu.memory_space<vmem_shared>> -> memref<640xf32, #tpu.memory_space<vmem_shared>>
      tpu.wait_dma2 semaphore(%run_scoped3A : memref<!tpu.dma_semaphore, #tpu.memory_space<semaphore_mem>>) src(%arg15 : memref<640xf32, #tpu.memory_space<vmem>>) dst(%dma_wait3A_123 : memref<640xf32, #tpu.memory_space<vmem_shared>>)
      tpu.yield
    }) : () -> ()
    %barrier3A = arith.constant 0 : index
    tpu.barrier barrier_id(%barrier3A)
    %dma_start3A = arith.constant 0 : i32
    %dma_start3A_29 = arith.constant 0 : i32
    %dma_start3A_30 = arith.constant 0 : i32
    %dma_start3A_31 = arith.constant 0 : i32
    %dma_start3A_32 = arith.constant 0 : i32
    %dma_start3A_33 = tpu.memref_slice %arg16[%dma_start3A_29, %dma_start3A_31, %dma_start3A_32] : memref<4x80x64xf32, #tpu.memory_space<vmem>> -> memref<1x80x64xf32, #tpu.memory_space<vmem>>
    %dma_start3A_34 = tpu.memref_squeeze %dma_start3A_33 : memref<1x80x64xf32, #tpu.memory_space<vmem>> -> memref<80x64xf32, #tpu.memory_space<vmem>>
    %dma_start3A_35 = arith.constant 0 : i32
    %dma_start3A_36 = tpu.memref_slice %arg10[%dma_start3A, %dma_start3A_35] : memref<250x80xi32, #tpu.memory_space<vmem>> -> memref<1x80xi32, #tpu.memory_space<vmem>>
    %dma_start3A_37 = tpu.memref_squeeze %dma_start3A_36 : memref<1x80xi32, #tpu.memory_space<vmem>> -> memref<80xi32, #tpu.memory_space<vmem>>
    %dma_start3A_38 = arith.constant 0 : i32
    %dma_start3A_39 = arith.constant 0 : i32
    %dma_start3A_40 = tpu.memref_slice %arg6[%arg0, %dma_start3A_38, %dma_start3A_39] : memref<2x10000x64xf32, #tpu.memory_space<hbm>> -> memref<1x10000x64xf32, #tpu.memory_space<hbm>>
    %dma_start3A_41 = tpu.memref_squeeze %dma_start3A_40 : memref<1x10000x64xf32, #tpu.memory_space<hbm>> -> memref<10000x64xf32, #tpu.memory_space<hbm>>
    %dma_start3A_42 = arith.constant 0 : i32
    %dma_start3A_43 = arith.constant 0 : i32
    %dma_start3A_44 = tpu.memref_slice %dma_start3A_41[%dma_start3A_42, %dma_start3A_43] : memref<10000x64xf32, #tpu.memory_space<hbm>> -> memref<10000x64xf32, #tpu.memory_space<hbm>>
    %dma_start3A_45 = tpu.memref_slice %arg19[%dma_start3A_30] : memref<4x!tpu.dma_semaphore, #tpu.memory_space<semaphore_mem>> -> memref<1x!tpu.dma_semaphore, #tpu.memory_space<semaphore_mem>>
    %dma_start3A_46 = tpu.memref_squeeze %dma_start3A_45 : memref<1x!tpu.dma_semaphore, #tpu.memory_space<semaphore_mem>> -> memref<!tpu.dma_semaphore, #tpu.memory_space<semaphore_mem>>
    tpu.enqueue_indirect_dma source(%dma_start3A_44 : memref<10000x64xf32, #tpu.memory_space<hbm>>) target(%dma_start3A_34 : memref<80x64xf32, #tpu.memory_space<vmem>>) offsets(%dma_start3A_37 : memref<80xi32, #tpu.memory_space<vmem>>) semaphore(%dma_start3A_46 : memref<!tpu.dma_semaphore, #tpu.memory_space<semaphore_mem>>)
    %dma_start3A_47 = arith.constant 1 : i32
    %dma_start3A_48 = arith.constant 1 : i32
    %dma_start3A_49 = arith.constant 1 : i32
    %dma_start3A_50 = arith.constant 0 : i32
    %dma_start3A_51 = arith.constant 0 : i32
    %dma_start3A_52 = tpu.memref_slice %arg16[%dma_start3A_48, %dma_start3A_50, %dma_start3A_51] : memref<4x80x64xf32, #tpu.memory_space<vmem>> -> memref<1x80x64xf32, #tpu.memory_space<vmem>>
    %dma_start3A_53 = tpu.memref_squeeze %dma_start3A_52 : memref<1x80x64xf32, #tpu.memory_space<vmem>> -> memref<80x64xf32, #tpu.memory_space<vmem>>
    %dma_start3A_54 = arith.constant 0 : i32
    %dma_start3A_55 = tpu.memref_slice %arg10[%dma_start3A_47, %dma_start3A_54] : memref<250x80xi32, #tpu.memory_space<vmem>> -> memref<1x80xi32, #tpu.memory_space<vmem>>
    %dma_start3A_56 = tpu.memref_squeeze %dma_start3A_55 : memref<1x80xi32, #tpu.memory_space<vmem>> -> memref<80xi32, #tpu.memory_space<vmem>>
    %dma_start3A_57 = arith.constant 0 : i32
    %dma_start3A_58 = arith.constant 0 : i32
    %dma_start3A_59 = tpu.memref_slice %arg6[%arg0, %dma_start3A_57, %dma_start3A_58] : memref<2x10000x64xf32, #tpu.memory_space<hbm>> -> memref<1x10000x64xf32, #tpu.memory_space<hbm>>
    %dma_start3A_60 = tpu.memref_squeeze %dma_start3A_59 : memref<1x10000x64xf32, #tpu.memory_space<hbm>> -> memref<10000x64xf32, #tpu.memory_space<hbm>>
    %dma_start3A_61 = arith.constant 0 : i32
    %dma_start3A_62 = arith.constant 0 : i32
    %dma_start3A_63 = tpu.memref_slice %dma_start3A_60[%dma_start3A_61, %dma_start3A_62] : memref<10000x64xf32, #tpu.memory_space<hbm>> -> memref<10000x64xf32, #tpu.memory_space<hbm>>
    %dma_start3A_64 = tpu.memref_slice %arg19[%dma_start3A_49] : memref<4x!tpu.dma_semaphore, #tpu.memory_space<semaphore_mem>> -> memref<1x!tpu.dma_semaphore, #tpu.memory_space<semaphore_mem>>
    %dma_start3A_65 = tpu.memref_squeeze %dma_start3A_64 : memref<1x!tpu.dma_semaphore, #tpu.memory_space<semaphore_mem>> -> memref<!tpu.dma_semaphore, #tpu.memory_space<semaphore_mem>>
    tpu.enqueue_indirect_dma source(%dma_start3A_63 : memref<10000x64xf32, #tpu.memory_space<hbm>>) target(%dma_start3A_53 : memref<80x64xf32, #tpu.memory_space<vmem>>) offsets(%dma_start3A_56 : memref<80xi32, #tpu.memory_space<vmem>>) semaphore(%dma_start3A_65 : memref<!tpu.dma_semaphore, #tpu.memory_space<semaphore_mem>>)
    %scan3A_66 = arith.constant 0 : i32
    %scan3A_67 = arith.constant 250 : i32
    %scan3A_68 = arith.addi %scan3A_66, %scan3A_67 : i32
    %scan3A_69 = arith.constant 1 : i32
    scf.for %scan3A_120 = %scan3A_66 to %scan3A_68 step %scan3A_69  : i32 {
      %mul3A_121 = arith.constant 1 : i32
      %mul3A_122 = arith.muli %scan3A_120, %mul3A_121 : i32
      %add3A_123 = arith.constant 0 : i32
      %add3A_124 = arith.addi %add3A_123, %mul3A_122 : i32
      %rem3A_125 = arith.constant 4 : i32
      %rem3A_126 = arith.remsi %add3A_124, %rem3A_125 : i32
      %rem3A_127 = arith.constant 2 : i32
      %rem3A_128 = arith.remsi %add3A_124, %rem3A_127 : i32
      %ge3A = arith.constant 2 : i32
      %ge3A_129 = arith.cmpi sge, %add3A_124, %ge3A : i32
      %eq3A_130 = arith.cmpi eq, %rem3A_128, %arg0 : i32
      %and3A = arith.andi %ge3A_129, %eq3A_130 : i1
      %convert_element_type3A_131 = arith.extui %and3A : i1 to i32
      %cond3A_132 = arith.constant 0 : i32
      %cond3A_133 = arith.cmpi ne, %convert_element_type3A_131, %cond3A_132 : i32
      scf.if %cond3A_133 {
        %sub3A = arith.constant 2 : i32
        %sub3A_266 = arith.subi %add3A_124, %sub3A : i32
        %dma_wait3A_267 = arith.constant 0 : i32
        %dma_wait3A_268 = tpu.memref_slice %arg13[%rem3A_128, %dma_wait3A_267] : memref<2x80xf32, #tpu.memory_space<vmem>> -> memref<1x80xf32, #tpu.memory_space<vmem>>
        %dma_wait3A_269 = tpu.memref_squeeze %dma_wait3A_268 : memref<1x80xf32, #tpu.memory_space<vmem>> -> memref<80xf32, #tpu.memory_space<vmem>>
        %dma_wait3A_270 = arith.constant 0 : i32
        %dma_wait3A_271 = tpu.memref_slice %arg9[%sub3A_266, %dma_wait3A_270] : memref<250x80xi32, #tpu.memory_space<vmem>> -> memref<1x80xi32, #tpu.memory_space<vmem>>
        %dma_wait3A_272 = tpu.memref_squeeze %dma_wait3A_271 : memref<1x80xi32, #tpu.memory_space<vmem>> -> memref<80xi32, #tpu.memory_space<vmem>>
        %dma_wait3A_273 = arith.constant 0 : i32
        %dma_wait3A_274 = tpu.memref_slice %arg18[%dma_wait3A_273] : memref<10240xf32, #tpu.memory_space<vmem_shared>> -> memref<10240xf32, #tpu.memory_space<vmem_shared>>
        %dma_wait3A_275 = tpu.memref_slice %arg21[%rem3A_128] : memref<2x!tpu.dma_semaphore, #tpu.memory_space<semaphore_mem>> -> memref<1x!tpu.dma_semaphore, #tpu.memory_space<semaphore_mem>>
        %dma_wait3A_276 = tpu.memref_squeeze %dma_wait3A_275 : memref<1x!tpu.dma_semaphore, #tpu.memory_space<semaphore_mem>> -> memref<!tpu.dma_semaphore, #tpu.memory_space<semaphore_mem>>
        tpu.wait_indirect_dma semaphore(%dma_wait3A_276 : memref<!tpu.dma_semaphore, #tpu.memory_space<semaphore_mem>>) src(%dma_wait3A_269 : memref<80xf32, #tpu.memory_space<vmem>>) dst(%dma_wait3A_274 : memref<10240xf32, #tpu.memory_space<vmem_shared>>)
      } else {
      }
      %get3A = arith.index_cast %add3A_124 : i32 to index
      %get3A_134 = arith.constant 0 : index
      %get3A_135 = tpu.vector_load %arg9[%get3A, %get3A_134] {strides = array<i32>} : memref<250x80xi32, #tpu.memory_space<vmem>>, vector<16xi32>,
      %get3A_136 = arith.index_cast %add3A_124 : i32 to index
      %get3A_137 = arith.constant 0 : index
      %get3A_138 = tpu.vector_load %arg10[%get3A_136, %get3A_137] {strides = array<i32>} : memref<250x80xi32, #tpu.memory_space<vmem>>, vector<16xi32>,
      %gather3A = tpu.vector_load_idx %arg11[%get3A_135] : memref<10000xf32, #tpu.memory_space<vmem>>[vector<16xi32>], vector<16xf32>,
      %gather3A_139 = tpu.vector_load_idx %arg12[%get3A_138] : memref<10000xf32, #tpu.memory_space<vmem>>[vector<16xi32>], vector<16xf32>,
      %add3A_140 = arith.addf %gather3A, %gather3A_139 : vector<16xf32>
      %mul3A_141 = arith.constant 2.000000e-01 : f32
      %mul3A_142 = vector.broadcast %mul3A_141 : f32 to vector<16xf32>
      %mul3A_143 = arith.mulf %mul3A_142, %add3A_140 : vector<16xf32>
      %max3A = arith.maximumf %add3A_140, %mul3A_143 : vector<16xf32>
      %exp3A = math.exp %max3A : vector<16xf32>
      %swap3A = arith.index_cast %rem3A_128 : i32 to index
      %swap3A_144 = arith.constant 0 : index
      %swap3A_145 = tpu.vector_load %arg13[%swap3A, %swap3A_144] {strides = array<i32>} : memref<2x80xf32, #tpu.memory_space<vmem>>, vector<16xf32>,
      tpu.vector_store %arg13[%swap3A, %swap3A_144], %exp3A {strides = array<i32>} : memref<2x80xf32, #tpu.memory_space<vmem>>, vector<16xf32>,
      %get3A_146 = arith.index_cast %add3A_124 : i32 to index
      %get3A_147 = arith.constant 16 : index
      %get3A_148 = tpu.vector_load %arg9[%get3A_146, %get3A_147] {strides = array<i32>} : memref<250x80xi32, #tpu.memory_space<vmem>>, vector<16xi32>,
      %get3A_149 = arith.index_cast %add3A_124 : i32 to index
      %get3A_150 = arith.constant 16 : index
      %get3A_151 = tpu.vector_load %arg10[%get3A_149, %get3A_150] {strides = array<i32>} : memref<250x80xi32, #tpu.memory_space<vmem>>, vector<16xi32>,
      %gather3A_152 = tpu.vector_load_idx %arg11[%get3A_148] : memref<10000xf32, #tpu.memory_space<vmem>>[vector<16xi32>], vector<16xf32>,
      %gather3A_153 = tpu.vector_load_idx %arg12[%get3A_151] : memref<10000xf32, #tpu.memory_space<vmem>>[vector<16xi32>], vector<16xf32>,
      %add3A_154 = arith.addf %gather3A_152, %gather3A_153 : vector<16xf32>
      %mul3A_155 = arith.constant 2.000000e-01 : f32
      %mul3A_156 = vector.broadcast %mul3A_155 : f32 to vector<16xf32>
      %mul3A_157 = arith.mulf %mul3A_156, %add3A_154 : vector<16xf32>
      %max3A_158 = arith.maximumf %add3A_154, %mul3A_157 : vector<16xf32>
      %exp3A_159 = math.exp %max3A_158 : vector<16xf32>
      %swap3A_160 = arith.index_cast %rem3A_128 : i32 to index
      %swap3A_161 = arith.constant 16 : index
      %swap3A_162 = tpu.vector_load %arg13[%swap3A_160, %swap3A_161] {strides = array<i32>} : memref<2x80xf32, #tpu.memory_space<vmem>>, vector<16xf32>,
      tpu.vector_store %arg13[%swap3A_160, %swap3A_161], %exp3A_159 {strides = array<i32>} : memref<2x80xf32, #tpu.memory_space<vmem>>, vector<16xf32>,
      %get3A_163 = arith.index_cast %add3A_124 : i32 to index
      %get3A_164 = arith.constant 32 : index
      %get3A_165 = tpu.vector_load %arg9[%get3A_163, %get3A_164] {strides = array<i32>} : memref<250x80xi32, #tpu.memory_space<vmem>>, vector<16xi32>,
      %get3A_166 = arith.index_cast %add3A_124 : i32 to index
      %get3A_167 = arith.constant 32 : index
      %get3A_168 = tpu.vector_load %arg10[%get3A_166, %get3A_167] {strides = array<i32>} : memref<250x80xi32, #tpu.memory_space<vmem>>, vector<16xi32>,
      %gather3A_169 = tpu.vector_load_idx %arg11[%get3A_165] : memref<10000xf32, #tpu.memory_space<vmem>>[vector<16xi32>], vector<16xf32>,
      %gather3A_170 = tpu.vector_load_idx %arg12[%get3A_168] : memref<10000xf32, #tpu.memory_space<vmem>>[vector<16xi32>], vector<16xf32>,
      %add3A_171 = arith.addf %gather3A_169, %gather3A_170 : vector<16xf32>
      %mul3A_172 = arith.constant 2.000000e-01 : f32
      %mul3A_173 = vector.broadcast %mul3A_172 : f32 to vector<16xf32>
      %mul3A_174 = arith.mulf %mul3A_173, %add3A_171 : vector<16xf32>
      %max3A_175 = arith.maximumf %add3A_171, %mul3A_174 : vector<16xf32>
      %exp3A_176 = math.exp %max3A_175 : vector<16xf32>
      %swap3A_177 = arith.index_cast %rem3A_128 : i32 to index
      %swap3A_178 = arith.constant 32 : index
      %swap3A_179 = tpu.vector_load %arg13[%swap3A_177, %swap3A_178] {strides = array<i32>} : memref<2x80xf32, #tpu.memory_space<vmem>>, vector<16xf32>,
      tpu.vector_store %arg13[%swap3A_177, %swap3A_178], %exp3A_176 {strides = array<i32>} : memref<2x80xf32, #tpu.memory_space<vmem>>, vector<16xf32>,
      %get3A_180 = arith.index_cast %add3A_124 : i32 to index
      %get3A_181 = arith.constant 48 : index
      %get3A_182 = tpu.vector_load %arg9[%get3A_180, %get3A_181] {strides = array<i32>} : memref<250x80xi32, #tpu.memory_space<vmem>>, vector<16xi32>,
      %get3A_183 = arith.index_cast %add3A_124 : i32 to index
      %get3A_184 = arith.constant 48 : index
      %get3A_185 = tpu.vector_load %arg10[%get3A_183, %get3A_184] {strides = array<i32>} : memref<250x80xi32, #tpu.memory_space<vmem>>, vector<16xi32>,
      %gather3A_186 = tpu.vector_load_idx %arg11[%get3A_182] : memref<10000xf32, #tpu.memory_space<vmem>>[vector<16xi32>], vector<16xf32>,
      %gather3A_187 = tpu.vector_load_idx %arg12[%get3A_185] : memref<10000xf32, #tpu.memory_space<vmem>>[vector<16xi32>], vector<16xf32>,
      %add3A_188 = arith.addf %gather3A_186, %gather3A_187 : vector<16xf32>
      %mul3A_189 = arith.constant 2.000000e-01 : f32
      %mul3A_190 = vector.broadcast %mul3A_189 : f32 to vector<16xf32>
      %mul3A_191 = arith.mulf %mul3A_190, %add3A_188 : vector<16xf32>
      %max3A_192 = arith.maximumf %add3A_188, %mul3A_191 : vector<16xf32>
      %exp3A_193 = math.exp %max3A_192 : vector<16xf32>
      %swap3A_194 = arith.index_cast %rem3A_128 : i32 to index
      %swap3A_195 = arith.constant 48 : index
      %swap3A_196 = tpu.vector_load %arg13[%swap3A_194, %swap3A_195] {strides = array<i32>} : memref<2x80xf32, #tpu.memory_space<vmem>>, vector<16xf32>,
      tpu.vector_store %arg13[%swap3A_194, %swap3A_195], %exp3A_193 {strides = array<i32>} : memref<2x80xf32, #tpu.memory_space<vmem>>, vector<16xf32>,
      %get3A_197 = arith.index_cast %add3A_124 : i32 to index
      %get3A_198 = arith.constant 64 : index
      %get3A_199 = tpu.vector_load %arg9[%get3A_197, %get3A_198] {strides = array<i32>} : memref<250x80xi32, #tpu.memory_space<vmem>>, vector<16xi32>,
      %get3A_200 = arith.index_cast %add3A_124 : i32 to index
      %get3A_201 = arith.constant 64 : index
      %get3A_202 = tpu.vector_load %arg10[%get3A_200, %get3A_201] {strides = array<i32>} : memref<250x80xi32, #tpu.memory_space<vmem>>, vector<16xi32>,
      %gather3A_203 = tpu.vector_load_idx %arg11[%get3A_199] : memref<10000xf32, #tpu.memory_space<vmem>>[vector<16xi32>], vector<16xf32>,
      %gather3A_204 = tpu.vector_load_idx %arg12[%get3A_202] : memref<10000xf32, #tpu.memory_space<vmem>>[vector<16xi32>], vector<16xf32>,
      %add3A_205 = arith.addf %gather3A_203, %gather3A_204 : vector<16xf32>
      %mul3A_206 = arith.constant 2.000000e-01 : f32
      %mul3A_207 = vector.broadcast %mul3A_206 : f32 to vector<16xf32>
      %mul3A_208 = arith.mulf %mul3A_207, %add3A_205 : vector<16xf32>
      %max3A_209 = arith.maximumf %add3A_205, %mul3A_208 : vector<16xf32>
      %exp3A_210 = math.exp %max3A_209 : vector<16xf32>
      %swap3A_211 = arith.index_cast %rem3A_128 : i32 to index
      %swap3A_212 = arith.constant 64 : index
      %swap3A_213 = tpu.vector_load %arg13[%swap3A_211, %swap3A_212] {strides = array<i32>} : memref<2x80xf32, #tpu.memory_space<vmem>>, vector<16xf32>,
      tpu.vector_store %arg13[%swap3A_211, %swap3A_212], %exp3A_210 {strides = array<i32>} : memref<2x80xf32, #tpu.memory_space<vmem>>, vector<16xf32>,
      %dma_wait3A_214 = arith.constant 0 : i32
      %dma_wait3A_215 = arith.constant 0 : i32
      %dma_wait3A_216 = tpu.memref_slice %arg16[%rem3A_126, %dma_wait3A_214, %dma_wait3A_215] : memref<4x80x64xf32, #tpu.memory_space<vmem>> -> memref<1x80x64xf32, #tpu.memory_space<vmem>>
      %dma_wait3A_217 = tpu.memref_squeeze %dma_wait3A_216 : memref<1x80x64xf32, #tpu.memory_space<vmem>> -> memref<80x64xf32, #tpu.memory_space<vmem>>
      %dma_wait3A_218 = arith.constant 0 : i32
      %dma_wait3A_219 = tpu.memref_slice %arg10[%add3A_124, %dma_wait3A_218] : memref<250x80xi32, #tpu.memory_space<vmem>> -> memref<1x80xi32, #tpu.memory_space<vmem>>
      %dma_wait3A_220 = tpu.memref_squeeze %dma_wait3A_219 : memref<1x80xi32, #tpu.memory_space<vmem>> -> memref<80xi32, #tpu.memory_space<vmem>>
      %dma_wait3A_221 = arith.constant 0 : i32
      %dma_wait3A_222 = arith.constant 0 : i32
      %dma_wait3A_223 = tpu.memref_slice %arg6[%arg0, %dma_wait3A_221, %dma_wait3A_222] : memref<2x10000x64xf32, #tpu.memory_space<hbm>> -> memref<1x10000x64xf32, #tpu.memory_space<hbm>>
      %dma_wait3A_224 = tpu.memref_squeeze %dma_wait3A_223 : memref<1x10000x64xf32, #tpu.memory_space<hbm>> -> memref<10000x64xf32, #tpu.memory_space<hbm>>
      %dma_wait3A_225 = arith.constant 0 : i32
      %dma_wait3A_226 = arith.constant 0 : i32
      %dma_wait3A_227 = tpu.memref_slice %dma_wait3A_224[%dma_wait3A_225, %dma_wait3A_226] : memref<10000x64xf32, #tpu.memory_space<hbm>> -> memref<10000x64xf32, #tpu.memory_space<hbm>>
      %dma_wait3A_228 = tpu.memref_slice %arg19[%rem3A_126] : memref<4x!tpu.dma_semaphore, #tpu.memory_space<semaphore_mem>> -> memref<1x!tpu.dma_semaphore, #tpu.memory_space<semaphore_mem>>
      %dma_wait3A_229 = tpu.memref_squeeze %dma_wait3A_228 : memref<1x!tpu.dma_semaphore, #tpu.memory_space<semaphore_mem>> -> memref<!tpu.dma_semaphore, #tpu.memory_space<semaphore_mem>>
      tpu.wait_indirect_dma semaphore(%dma_wait3A_229 : memref<!tpu.dma_semaphore, #tpu.memory_space<semaphore_mem>>) src(%dma_wait3A_227 : memref<10000x64xf32, #tpu.memory_space<hbm>>) dst(%dma_wait3A_217 : memref<80x64xf32, #tpu.memory_space<vmem>>)
      %scan3A_230 = arith.constant 0 : i32
      %scan3A_231 = arith.constant 5 : i32
      %scan3A_232 = arith.addi %scan3A_230, %scan3A_231 : i32
      %scan3A_233 = arith.constant 1 : i32
      scf.for %scan3A_266 = %scan3A_230 to %scan3A_232 step %scan3A_233  : i32 {
        %mul3A_267 = arith.constant 1 : i32
        %mul3A_268 = arith.muli %scan3A_266, %mul3A_267 : i32
        %add3A_269 = arith.constant 0 : i32
        %add3A_270 = arith.addi %add3A_269, %mul3A_268 : i32
        %mul3A_271 = arith.constant 16 : i32
        %mul3A_272 = arith.muli %add3A_270, %mul3A_271 : i32
        %get3A_273 = arith.index_cast %rem3A_128 : i32 to index
        %get3A_274 = arith.index_cast %mul3A_272 : i32 to index
        %get3A_275 = tpu.vector_load %arg13[%get3A_273, %get3A_274] {strides = array<i32>} : memref<2x80xf32, #tpu.memory_space<vmem>>, vector<16xf32>,
        %slice3A = vector.extract_strided_slice %get3A_275 {offsets = [0], sizes = [1], strides = [1]} : vector<16xf32> to vector<1xf32>
        %squeeze3A = vector.extract %slice3A[0] : f32 from vector<1xf32>
        %mul3A_276 = arith.constant 16 : i32
        %mul3A_277 = arith.muli %add3A_270, %mul3A_276 : i32
        %add3A_278 = arith.constant 0 : i32
        %add3A_279 = arith.addi %mul3A_277, %add3A_278 : i32
        %get3A_280 = arith.index_cast %rem3A_126 : i32 to index
        %get3A_281 = arith.index_cast %add3A_279 : i32 to index
        %get3A_282 = arith.constant 0 : index
        %get3A_283 = tpu.vector_load %arg16[%get3A_280, %get3A_281, %get3A_282] {strides = array<i32>} : memref<4x80x64xf32, #tpu.memory_space<vmem>>, vector<16xf32>,
        %mul3A_284 = vector.broadcast %squeeze3A : f32 to vector<16xf32>
        %mul3A_285 = arith.mulf %get3A_283, %mul3A_284 : vector<16xf32>
        %swap3A_286 = arith.index_cast %rem3A_126 : i32 to index
        %swap3A_287 = arith.index_cast %add3A_279 : i32 to index
        %swap3A_288 = arith.constant 0 : index
        %swap3A_289 = tpu.vector_load %arg16[%swap3A_286, %swap3A_287, %swap3A_288] {strides = array<i32>} : memref<4x80x64xf32, #tpu.memory_space<vmem>>, vector<16xf32>,
        tpu.vector_store %arg16[%swap3A_286, %swap3A_287, %swap3A_288], %mul3A_285 {strides = array<i32>} : memref<4x80x64xf32, #tpu.memory_space<vmem>>, vector<16xf32>,
        %get3A_290 = arith.index_cast %rem3A_126 : i32 to index
        %get3A_291 = arith.index_cast %add3A_279 : i32 to index
        %get3A_292 = arith.constant 16 : index
        %get3A_293 = tpu.vector_load %arg16[%get3A_290, %get3A_291, %get3A_292] {strides = array<i32>} : memref<4x80x64xf32, #tpu.memory_space<vmem>>, vector<16xf32>,
        %mul3A_294 = vector.broadcast %squeeze3A : f32 to vector<16xf32>
        %mul3A_295 = arith.mulf %get3A_293, %mul3A_294 : vector<16xf32>
        %swap3A_296 = arith.index_cast %rem3A_126 : i32 to index
        %swap3A_297 = arith.index_cast %add3A_279 : i32 to index
        %swap3A_298 = arith.constant 16 : index
        %swap3A_299 = tpu.vector_load %arg16[%swap3A_296, %swap3A_297, %swap3A_298] {strides = array<i32>} : memref<4x80x64xf32, #tpu.memory_space<vmem>>, vector<16xf32>,
        tpu.vector_store %arg16[%swap3A_296, %swap3A_297, %swap3A_298], %mul3A_295 {strides = array<i32>} : memref<4x80x64xf32, #tpu.memory_space<vmem>>, vector<16xf32>,
        %get3A_300 = arith.index_cast %rem3A_126 : i32 to index
        %get3A_301 = arith.index_cast %add3A_279 : i32 to index
        %get3A_302 = arith.constant 32 : index
        %get3A_303 = tpu.vector_load %arg16[%get3A_300, %get3A_301, %get3A_302] {strides = array<i32>} : memref<4x80x64xf32, #tpu.memory_space<vmem>>, vector<16xf32>,
        %mul3A_304 = vector.broadcast %squeeze3A : f32 to vector<16xf32>
        %mul3A_305 = arith.mulf %get3A_303, %mul3A_304 : vector<16xf32>
        %swap3A_306 = arith.index_cast %rem3A_126 : i32 to index
        %swap3A_307 = arith.index_cast %add3A_279 : i32 to index
        %swap3A_308 = arith.constant 32 : index
        %swap3A_309 = tpu.vector_load %arg16[%swap3A_306, %swap3A_307, %swap3A_308] {strides = array<i32>} : memref<4x80x64xf32, #tpu.memory_space<vmem>>, vector<16xf32>,
        tpu.vector_store %arg16[%swap3A_306, %swap3A_307, %swap3A_308], %mul3A_305 {strides = array<i32>} : memref<4x80x64xf32, #tpu.memory_space<vmem>>, vector<16xf32>,
        %get3A_310 = arith.index_cast %rem3A_126 : i32 to index
        %get3A_311 = arith.index_cast %add3A_279 : i32 to index
        %get3A_312 = arith.constant 48 : index
        %get3A_313 = tpu.vector_load %arg16[%get3A_310, %get3A_311, %get3A_312] {strides = array<i32>} : memref<4x80x64xf32, #tpu.memory_space<vmem>>, vector<16xf32>,
        %mul3A_314 = vector.broadcast %squeeze3A : f32 to vector<16xf32>
        %mul3A_315 = arith.mulf %get3A_313, %mul3A_314 : vector<16xf32>
        %swap3A_316 = arith.index_cast %rem3A_126 : i32 to index
        %swap3A_317 = arith.index_cast %add3A_279 : i32 to index
        %swap3A_318 = arith.constant 48 : index
        %swap3A_319 = tpu.vector_load %arg16[%swap3A_316, %swap3A_317, %swap3A_318] {strides = array<i32>} : memref<4x80x64xf32, #tpu.memory_space<vmem>>, vector<16xf32>,
        tpu.vector_store %arg16[%swap3A_316, %swap3A_317, %swap3A_318], %mul3A_315 {strides = array<i32>} : memref<4x80x64xf32, #tpu.memory_space<vmem>>, vector<16xf32>,
        %slice3A_320 = vector.extract_strided_slice %get3A_275 {offsets = [1], sizes = [1], strides = [1]} : vector<16xf32> to vector<1xf32>
        %squeeze3A_321 = vector.extract %slice3A_320[0] : f32 from vector<1xf32>
        %mul3A_322 = arith.constant 16 : i32
        %mul3A_323 = arith.muli %add3A_270, %mul3A_322 : i32
        %add3A_324 = arith.constant 1 : i32
        %add3A_325 = arith.addi %mul3A_323, %add3A_324 : i32
        %get3A_326 = arith.index_cast %rem3A_126 : i32 to index
        %get3A_327 = arith.index_cast %add3A_325 : i32 to index
        %get3A_328 = arith.constant 0 : index
        %get3A_329 = tpu.vector_load %arg16[%get3A_326, %get3A_327, %get3A_328] {strides = array<i32>} : memref<4x80x64xf32, #tpu.memory_space<vmem>>, vector<16xf32>,
        %mul3A_330 = vector.broadcast %squeeze3A_321 : f32 to vector<16xf32>
        %mul3A_331 = arith.mulf %get3A_329, %mul3A_330 : vector<16xf32>
        %swap3A_332 = arith.index_cast %rem3A_126 : i32 to index
        %swap3A_333 = arith.index_cast %add3A_325 : i32 to index
        %swap3A_334 = arith.constant 0 : index
        %swap3A_335 = tpu.vector_load %arg16[%swap3A_332, %swap3A_333, %swap3A_334] {strides = array<i32>} : memref<4x80x64xf32, #tpu.memory_space<vmem>>, vector<16xf32>,
        tpu.vector_store %arg16[%swap3A_332, %swap3A_333, %swap3A_334], %mul3A_331 {strides = array<i32>} : memref<4x80x64xf32, #tpu.memory_space<vmem>>, vector<16xf32>,
        %get3A_336 = arith.index_cast %rem3A_126 : i32 to index
        %get3A_337 = arith.index_cast %add3A_325 : i32 to index
        %get3A_338 = arith.constant 16 : index
        %get3A_339 = tpu.vector_load %arg16[%get3A_336, %get3A_337, %get3A_338] {strides = array<i32>} : memref<4x80x64xf32, #tpu.memory_space<vmem>>, vector<16xf32>,
        %mul3A_340 = vector.broadcast %squeeze3A_321 : f32 to vector<16xf32>
        %mul3A_341 = arith.mulf %get3A_339, %mul3A_340 : vector<16xf32>
        %swap3A_342 = arith.index_cast %rem3A_126 : i32 to index
        %swap3A_343 = arith.index_cast %add3A_325 : i32 to index
        %swap3A_344 = arith.constant 16 : index
        %swap3A_345 = tpu.vector_load %arg16[%swap3A_342, %swap3A_343, %swap3A_344] {strides = array<i32>} : memref<4x80x64xf32, #tpu.memory_space<vmem>>, vector<16xf32>,
        tpu.vector_store %arg16[%swap3A_342, %swap3A_343, %swap3A_344], %mul3A_341 {strides = array<i32>} : memref<4x80x64xf32, #tpu.memory_space<vmem>>, vector<16xf32>,
        %get3A_346 = arith.index_cast %rem3A_126 : i32 to index
        %get3A_347 = arith.index_cast %add3A_325 : i32 to index
        %get3A_348 = arith.constant 32 : index
        %get3A_349 = tpu.vector_load %arg16[%get3A_346, %get3A_347, %get3A_348] {strides = array<i32>} : memref<4x80x64xf32, #tpu.memory_space<vmem>>, vector<16xf32>,
        %mul3A_350 = vector.broadcast %squeeze3A_321 : f32 to vector<16xf32>
        %mul3A_351 = arith.mulf %get3A_349, %mul3A_350 : vector<16xf32>
        %swap3A_352 = arith.index_cast %rem3A_126 : i32 to index
        %swap3A_353 = arith.index_cast %add3A_325 : i32 to index
        %swap3A_354 = arith.constant 32 : index
        %swap3A_355 = tpu.vector_load %arg16[%swap3A_352, %swap3A_353, %swap3A_354] {strides = array<i32>} : memref<4x80x64xf32, #tpu.memory_space<vmem>>, vector<16xf32>,
        tpu.vector_store %arg16[%swap3A_352, %swap3A_353, %swap3A_354], %mul3A_351 {strides = array<i32>} : memref<4x80x64xf32, #tpu.memory_space<vmem>>, vector<16xf32>,
        %get3A_356 = arith.index_cast %rem3A_126 : i32 to index
        %get3A_357 = arith.index_cast %add3A_325 : i32 to index
        %get3A_358 = arith.constant 48 : index
        %get3A_359 = tpu.vector_load %arg16[%get3A_356, %get3A_357, %get3A_358] {strides = array<i32>} : memref<4x80x64xf32, #tpu.memory_space<vmem>>, vector<16xf32>,
        %mul3A_360 = vector.broadcast %squeeze3A_321 : f32 to vector<16xf32>
        %mul3A_361 = arith.mulf %get3A_359, %mul3A_360 : vector<16xf32>
        %swap3A_362 = arith.index_cast %rem3A_126 : i32 to index
        %swap3A_363 = arith.index_cast %add3A_325 : i32 to index
        %swap3A_364 = arith.constant 48 : index
        %swap3A_365 = tpu.vector_load %arg16[%swap3A_362, %swap3A_363, %swap3A_364] {strides = array<i32>} : memref<4x80x64xf32, #tpu.memory_space<vmem>>, vector<16xf32>,
        tpu.vector_store %arg16[%swap3A_362, %swap3A_363, %swap3A_364], %mul3A_361 {strides = array<i32>} : memref<4x80x64xf32, #tpu.memory_space<vmem>>, vector<16xf32>,
        %slice3A_366 = vector.extract_strided_slice %get3A_275 {offsets = [2], sizes = [1], strides = [1]} : vector<16xf32> to vector<1xf32>
        %squeeze3A_367 = vector.extract %slice3A_366[0] : f32 from vector<1xf32>
        %mul3A_368 = arith.constant 16 : i32
        %mul3A_369 = arith.muli %add3A_270, %mul3A_368 : i32
        %add3A_370 = arith.constant 2 : i32
        %add3A_371 = arith.addi %mul3A_369, %add3A_370 : i32
        %get3A_372 = arith.index_cast %rem3A_126 : i32 to index
        %get3A_373 = arith.index_cast %add3A_371 : i32 to index
        %get3A_374 = arith.constant 0 : index
        %get3A_375 = tpu.vector_load %arg16[%get3A_372, %get3A_373, %get3A_374] {strides = array<i32>} : memref<4x80x64xf32, #tpu.memory_space<vmem>>, vector<16xf32>,
        %mul3A_376 = vector.broadcast %squeeze3A_367 : f32 to vector<16xf32>
        %mul3A_377 = arith.mulf %get3A_375, %mul3A_376 : vector<16xf32>
        %swap3A_378 = arith.index_cast %rem3A_126 : i32 to index
        %swap3A_379 = arith.index_cast %add3A_371 : i32 to index
        %swap3A_380 = arith.constant 0 : index
        %swap3A_381 = tpu.vector_load %arg16[%swap3A_378, %swap3A_379, %swap3A_380] {strides = array<i32>} : memref<4x80x64xf32, #tpu.memory_space<vmem>>, vector<16xf32>,
        tpu.vector_store %arg16[%swap3A_378, %swap3A_379, %swap3A_380], %mul3A_377 {strides = array<i32>} : memref<4x80x64xf32, #tpu.memory_space<vmem>>, vector<16xf32>,
        %get3A_382 = arith.index_cast %rem3A_126 : i32 to index
        %get3A_383 = arith.index_cast %add3A_371 : i32 to index
        %get3A_384 = arith.constant 16 : index
        %get3A_385 = tpu.vector_load %arg16[%get3A_382, %get3A_383, %get3A_384] {strides = array<i32>} : memref<4x80x64xf32, #tpu.memory_space<vmem>>, vector<16xf32>,
        %mul3A_386 = vector.broadcast %squeeze3A_367 : f32 to vector<16xf32>
        %mul3A_387 = arith.mulf %get3A_385, %mul3A_386 : vector<16xf32>
        %swap3A_388 = arith.index_cast %rem3A_126 : i32 to index
        %swap3A_389 = arith.index_cast %add3A_371 : i32 to index
        %swap3A_390 = arith.constant 16 : index
        %swap3A_391 = tpu.vector_load %arg16[%swap3A_388, %swap3A_389, %swap3A_390] {strides = array<i32>} : memref<4x80x64xf32, #tpu.memory_space<vmem>>, vector<16xf32>,
        tpu.vector_store %arg16[%swap3A_388, %swap3A_389, %swap3A_390], %mul3A_387 {strides = array<i32>} : memref<4x80x64xf32, #tpu.memory_space<vmem>>, vector<16xf32>,
        %get3A_392 = arith.index_cast %rem3A_126 : i32 to index
        %get3A_393 = arith.index_cast %add3A_371 : i32 to index
        %get3A_394 = arith.constant 32 : index
        %get3A_395 = tpu.vector_load %arg16[%get3A_392, %get3A_393, %get3A_394] {strides = array<i32>} : memref<4x80x64xf32, #tpu.memory_space<vmem>>, vector<16xf32>,
        %mul3A_396 = vector.broadcast %squeeze3A_367 : f32 to vector<16xf32>
        %mul3A_397 = arith.mulf %get3A_395, %mul3A_396 : vector<16xf32>
        %swap3A_398 = arith.index_cast %rem3A_126 : i32 to index
        %swap3A_399 = arith.index_cast %add3A_371 : i32 to index
        %swap3A_400 = arith.constant 32 : index
        %swap3A_401 = tpu.vector_load %arg16[%swap3A_398, %swap3A_399, %swap3A_400] {strides = array<i32>} : memref<4x80x64xf32, #tpu.memory_space<vmem>>, vector<16xf32>,
        tpu.vector_store %arg16[%swap3A_398, %swap3A_399, %swap3A_400], %mul3A_397 {strides = array<i32>} : memref<4x80x64xf32, #tpu.memory_space<vmem>>, vector<16xf32>,
        %get3A_402 = arith.index_cast %rem3A_126 : i32 to index
        %get3A_403 = arith.index_cast %add3A_371 : i32 to index
        %get3A_404 = arith.constant 48 : index
        %get3A_405 = tpu.vector_load %arg16[%get3A_402, %get3A_403, %get3A_404] {strides = array<i32>} : memref<4x80x64xf32, #tpu.memory_space<vmem>>, vector<16xf32>,
        %mul3A_406 = vector.broadcast %squeeze3A_367 : f32 to vector<16xf32>
        %mul3A_407 = arith.mulf %get3A_405, %mul3A_406 : vector<16xf32>
        %swap3A_408 = arith.index_cast %rem3A_126 : i32 to index
        %swap3A_409 = arith.index_cast %add3A_371 : i32 to index
        %swap3A_410 = arith.constant 48 : index
        %swap3A_411 = tpu.vector_load %arg16[%swap3A_408, %swap3A_409, %swap3A_410] {strides = array<i32>} : memref<4x80x64xf32, #tpu.memory_space<vmem>>, vector<16xf32>,
        tpu.vector_store %arg16[%swap3A_408, %swap3A_409, %swap3A_410], %mul3A_407 {strides = array<i32>} : memref<4x80x64xf32, #tpu.memory_space<vmem>>, vector<16xf32>,
        %slice3A_412 = vector.extract_strided_slice %get3A_275 {offsets = [3], sizes = [1], strides = [1]} : vector<16xf32> to vector<1xf32>
        %squeeze3A_413 = vector.extract %slice3A_412[0] : f32 from vector<1xf32>
        %mul3A_414 = arith.constant 16 : i32
        %mul3A_415 = arith.muli %add3A_270, %mul3A_414 : i32
        %add3A_416 = arith.constant 3 : i32
        %add3A_417 = arith.addi %mul3A_415, %add3A_416 : i32
        %get3A_418 = arith.index_cast %rem3A_126 : i32 to index
        %get3A_419 = arith.index_cast %add3A_417 : i32 to index
        %get3A_420 = arith.constant 0 : index
        %get3A_421 = tpu.vector_load %arg16[%get3A_418, %get3A_419, %get3A_420] {strides = array<i32>} : memref<4x80x64xf32, #tpu.memory_space<vmem>>, vector<16xf32>,
        %mul3A_422 = vector.broadcast %squeeze3A_413 : f32 to vector<16xf32>
        %mul3A_423 = arith.mulf %get3A_421, %mul3A_422 : vector<16xf32>
        %swap3A_424 = arith.index_cast %rem3A_126 : i32 to index
        %swap3A_425 = arith.index_cast %add3A_417 : i32 to index
        %swap3A_426 = arith.constant 0 : index
        %swap3A_427 = tpu.vector_load %arg16[%swap3A_424, %swap3A_425, %swap3A_426] {strides = array<i32>} : memref<4x80x64xf32, #tpu.memory_space<vmem>>, vector<16xf32>,
        tpu.vector_store %arg16[%swap3A_424, %swap3A_425, %swap3A_426], %mul3A_423 {strides = array<i32>} : memref<4x80x64xf32, #tpu.memory_space<vmem>>, vector<16xf32>,
        %get3A_428 = arith.index_cast %rem3A_126 : i32 to index
        %get3A_429 = arith.index_cast %add3A_417 : i32 to index
        %get3A_430 = arith.constant 16 : index
        %get3A_431 = tpu.vector_load %arg16[%get3A_428, %get3A_429, %get3A_430] {strides = array<i32>} : memref<4x80x64xf32, #tpu.memory_space<vmem>>, vector<16xf32>,
        %mul3A_432 = vector.broadcast %squeeze3A_413 : f32 to vector<16xf32>
        %mul3A_433 = arith.mulf %get3A_431, %mul3A_432 : vector<16xf32>
        %swap3A_434 = arith.index_cast %rem3A_126 : i32 to index
        %swap3A_435 = arith.index_cast %add3A_417 : i32 to index
        %swap3A_436 = arith.constant 16 : index
        %swap3A_437 = tpu.vector_load %arg16[%swap3A_434, %swap3A_435, %swap3A_436] {strides = array<i32>} : memref<4x80x64xf32, #tpu.memory_space<vmem>>, vector<16xf32>,
        tpu.vector_store %arg16[%swap3A_434, %swap3A_435, %swap3A_436], %mul3A_433 {strides = array<i32>} : memref<4x80x64xf32, #tpu.memory_space<vmem>>, vector<16xf32>,
        %get3A_438 = arith.index_cast %rem3A_126 : i32 to index
        %get3A_439 = arith.index_cast %add3A_417 : i32 to index
        %get3A_440 = arith.constant 32 : index
        %get3A_441 = tpu.vector_load %arg16[%get3A_438, %get3A_439, %get3A_440] {strides = array<i32>} : memref<4x80x64xf32, #tpu.memory_space<vmem>>, vector<16xf32>,
        %mul3A_442 = vector.broadcast %squeeze3A_413 : f32 to vector<16xf32>
        %mul3A_443 = arith.mulf %get3A_441, %mul3A_442 : vector<16xf32>
        %swap3A_444 = arith.index_cast %rem3A_126 : i32 to index
        %swap3A_445 = arith.index_cast %add3A_417 : i32 to index
        %swap3A_446 = arith.constant 32 : index
        %swap3A_447 = tpu.vector_load %arg16[%swap3A_444, %swap3A_445, %swap3A_446] {strides = array<i32>} : memref<4x80x64xf32, #tpu.memory_space<vmem>>, vector<16xf32>,
        tpu.vector_store %arg16[%swap3A_444, %swap3A_445, %swap3A_446], %mul3A_443 {strides = array<i32>} : memref<4x80x64xf32, #tpu.memory_space<vmem>>, vector<16xf32>,
        %get3A_448 = arith.index_cast %rem3A_126 : i32 to index
        %get3A_449 = arith.index_cast %add3A_417 : i32 to index
        %get3A_450 = arith.constant 48 : index
        %get3A_451 = tpu.vector_load %arg16[%get3A_448, %get3A_449, %get3A_450] {strides = array<i32>} : memref<4x80x64xf32, #tpu.memory_space<vmem>>, vector<16xf32>,
        %mul3A_452 = vector.broadcast %squeeze3A_413 : f32 to vector<16xf32>
        %mul3A_453 = arith.mulf %get3A_451, %mul3A_452 : vector<16xf32>
        %swap3A_454 = arith.index_cast %rem3A_126 : i32 to index
        %swap3A_455 = arith.index_cast %add3A_417 : i32 to index
        %swap3A_456 = arith.constant 48 : index
        %swap3A_457 = tpu.vector_load %arg16[%swap3A_454, %swap3A_455, %swap3A_456] {strides = array<i32>} : memref<4x80x64xf32, #tpu.memory_space<vmem>>, vector<16xf32>,
        tpu.vector_store %arg16[%swap3A_454, %swap3A_455, %swap3A_456], %mul3A_453 {strides = array<i32>} : memref<4x80x64xf32, #tpu.memory_space<vmem>>, vector<16xf32>,
        %slice3A_458 = vector.extract_strided_slice %get3A_275 {offsets = [4], sizes = [1], strides = [1]} : vector<16xf32> to vector<1xf32>
        %squeeze3A_459 = vector.extract %slice3A_458[0] : f32 from vector<1xf32>
        %mul3A_460 = arith.constant 16 : i32
        %mul3A_461 = arith.muli %add3A_270, %mul3A_460 : i32
        %add3A_462 = arith.constant 4 : i32
        %add3A_463 = arith.addi %mul3A_461, %add3A_462 : i32
        %get3A_464 = arith.index_cast %rem3A_126 : i32 to index
        %get3A_465 = arith.index_cast %add3A_463 : i32 to index
        %get3A_466 = arith.constant 0 : index
        %get3A_467 = tpu.vector_load %arg16[%get3A_464, %get3A_465, %get3A_466] {strides = array<i32>} : memref<4x80x64xf32, #tpu.memory_space<vmem>>, vector<16xf32>,
        %mul3A_468 = vector.broadcast %squeeze3A_459 : f32 to vector<16xf32>
        %mul3A_469 = arith.mulf %get3A_467, %mul3A_468 : vector<16xf32>
        %swap3A_470 = arith.index_cast %rem3A_126 : i32 to index
        %swap3A_471 = arith.index_cast %add3A_463 : i32 to index
        %swap3A_472 = arith.constant 0 : index
        %swap3A_473 = tpu.vector_load %arg16[%swap3A_470, %swap3A_471, %swap3A_472] {strides = array<i32>} : memref<4x80x64xf32, #tpu.memory_space<vmem>>, vector<16xf32>,
        tpu.vector_store %arg16[%swap3A_470, %swap3A_471, %swap3A_472], %mul3A_469 {strides = array<i32>} : memref<4x80x64xf32, #tpu.memory_space<vmem>>, vector<16xf32>,
        %get3A_474 = arith.index_cast %rem3A_126 : i32 to index
        %get3A_475 = arith.index_cast %add3A_463 : i32 to index
        %get3A_476 = arith.constant 16 : index
        %get3A_477 = tpu.vector_load %arg16[%get3A_474, %get3A_475, %get3A_476] {strides = array<i32>} : memref<4x80x64xf32, #tpu.memory_space<vmem>>, vector<16xf32>,
        %mul3A_478 = vector.broadcast %squeeze3A_459 : f32 to vector<16xf32>
        %mul3A_479 = arith.mulf %get3A_477, %mul3A_478 : vector<16xf32>
        %swap3A_480 = arith.index_cast %rem3A_126 : i32 to index
        %swap3A_481 = arith.index_cast %add3A_463 : i32 to index
        %swap3A_482 = arith.constant 16 : index
        %swap3A_483 = tpu.vector_load %arg16[%swap3A_480, %swap3A_481, %swap3A_482] {strides = array<i32>} : memref<4x80x64xf32, #tpu.memory_space<vmem>>, vector<16xf32>,
        tpu.vector_store %arg16[%swap3A_480, %swap3A_481, %swap3A_482], %mul3A_479 {strides = array<i32>} : memref<4x80x64xf32, #tpu.memory_space<vmem>>, vector<16xf32>,
        %get3A_484 = arith.index_cast %rem3A_126 : i32 to index
        %get3A_485 = arith.index_cast %add3A_463 : i32 to index
        %get3A_486 = arith.constant 32 : index
        %get3A_487 = tpu.vector_load %arg16[%get3A_484, %get3A_485, %get3A_486] {strides = array<i32>} : memref<4x80x64xf32, #tpu.memory_space<vmem>>, vector<16xf32>,
        %mul3A_488 = vector.broadcast %squeeze3A_459 : f32 to vector<16xf32>
        %mul3A_489 = arith.mulf %get3A_487, %mul3A_488 : vector<16xf32>
        %swap3A_490 = arith.index_cast %rem3A_126 : i32 to index
        %swap3A_491 = arith.index_cast %add3A_463 : i32 to index
        %swap3A_492 = arith.constant 32 : index
        %swap3A_493 = tpu.vector_load %arg16[%swap3A_490, %swap3A_491, %swap3A_492] {strides = array<i32>} : memref<4x80x64xf32, #tpu.memory_space<vmem>>, vector<16xf32>,
        tpu.vector_store %arg16[%swap3A_490, %swap3A_491, %swap3A_492], %mul3A_489 {strides = array<i32>} : memref<4x80x64xf32, #tpu.memory_space<vmem>>, vector<16xf32>,
        %get3A_494 = arith.index_cast %rem3A_126 : i32 to index
        %get3A_495 = arith.index_cast %add3A_463 : i32 to index
        %get3A_496 = arith.constant 48 : index
        %get3A_497 = tpu.vector_load %arg16[%get3A_494, %get3A_495, %get3A_496] {strides = array<i32>} : memref<4x80x64xf32, #tpu.memory_space<vmem>>, vector<16xf32>,
        %mul3A_498 = vector.broadcast %squeeze3A_459 : f32 to vector<16xf32>
        %mul3A_499 = arith.mulf %get3A_497, %mul3A_498 : vector<16xf32>
        %swap3A_500 = arith.index_cast %rem3A_126 : i32 to index
        %swap3A_501 = arith.index_cast %add3A_463 : i32 to index
        %swap3A_502 = arith.constant 48 : index
        %swap3A_503 = tpu.vector_load %arg16[%swap3A_500, %swap3A_501, %swap3A_502] {strides = array<i32>} : memref<4x80x64xf32, #tpu.memory_space<vmem>>, vector<16xf32>,
        tpu.vector_store %arg16[%swap3A_500, %swap3A_501, %swap3A_502], %mul3A_499 {strides = array<i32>} : memref<4x80x64xf32, #tpu.memory_space<vmem>>, vector<16xf32>,
        %slice3A_504 = vector.extract_strided_slice %get3A_275 {offsets = [5], sizes = [1], strides = [1]} : vector<16xf32> to vector<1xf32>
        %squeeze3A_505 = vector.extract %slice3A_504[0] : f32 from vector<1xf32>
        %mul3A_506 = arith.constant 16 : i32
        %mul3A_507 = arith.muli %add3A_270, %mul3A_506 : i32
        %add3A_508 = arith.constant 5 : i32
        %add3A_509 = arith.addi %mul3A_507, %add3A_508 : i32
        %get3A_510 = arith.index_cast %rem3A_126 : i32 to index
        %get3A_511 = arith.index_cast %add3A_509 : i32 to index
        %get3A_512 = arith.constant 0 : index
        %get3A_513 = tpu.vector_load %arg16[%get3A_510, %get3A_511, %get3A_512] {strides = array<i32>} : memref<4x80x64xf32, #tpu.memory_space<vmem>>, vector<16xf32>,
        %mul3A_514 = vector.broadcast %squeeze3A_505 : f32 to vector<16xf32>
        %mul3A_515 = arith.mulf %get3A_513, %mul3A_514 : vector<16xf32>
        %swap3A_516 = arith.index_cast %rem3A_126 : i32 to index
        %swap3A_517 = arith.index_cast %add3A_509 : i32 to index
        %swap3A_518 = arith.constant 0 : index
        %swap3A_519 = tpu.vector_load %arg16[%swap3A_516, %swap3A_517, %swap3A_518] {strides = array<i32>} : memref<4x80x64xf32, #tpu.memory_space<vmem>>, vector<16xf32>,
        tpu.vector_store %arg16[%swap3A_516, %swap3A_517, %swap3A_518], %mul3A_515 {strides = array<i32>} : memref<4x80x64xf32, #tpu.memory_space<vmem>>, vector<16xf32>,
        %get3A_520 = arith.index_cast %rem3A_126 : i32 to index
        %get3A_521 = arith.index_cast %add3A_509 : i32 to index
        %get3A_522 = arith.constant 16 : index
        %get3A_523 = tpu.vector_load %arg16[%get3A_520, %get3A_521, %get3A_522] {strides = array<i32>} : memref<4x80x64xf32, #tpu.memory_space<vmem>>, vector<16xf32>,
        %mul3A_524 = vector.broadcast %squeeze3A_505 : f32 to vector<16xf32>
        %mul3A_525 = arith.mulf %get3A_523, %mul3A_524 : vector<16xf32>
        %swap3A_526 = arith.index_cast %rem3A_126 : i32 to index
        %swap3A_527 = arith.index_cast %add3A_509 : i32 to index
        %swap3A_528 = arith.constant 16 : index
        %swap3A_529 = tpu.vector_load %arg16[%swap3A_526, %swap3A_527, %swap3A_528] {strides = array<i32>} : memref<4x80x64xf32, #tpu.memory_space<vmem>>, vector<16xf32>,
        tpu.vector_store %arg16[%swap3A_526, %swap3A_527, %swap3A_528], %mul3A_525 {strides = array<i32>} : memref<4x80x64xf32, #tpu.memory_space<vmem>>, vector<16xf32>,
        %get3A_530 = arith.index_cast %rem3A_126 : i32 to index
        %get3A_531 = arith.index_cast %add3A_509 : i32 to index
        %get3A_532 = arith.constant 32 : index
        %get3A_533 = tpu.vector_load %arg16[%get3A_530, %get3A_531, %get3A_532] {strides = array<i32>} : memref<4x80x64xf32, #tpu.memory_space<vmem>>, vector<16xf32>,
        %mul3A_534 = vector.broadcast %squeeze3A_505 : f32 to vector<16xf32>
        %mul3A_535 = arith.mulf %get3A_533, %mul3A_534 : vector<16xf32>
        %swap3A_536 = arith.index_cast %rem3A_126 : i32 to index
        %swap3A_537 = arith.index_cast %add3A_509 : i32 to index
        %swap3A_538 = arith.constant 32 : index
        %swap3A_539 = tpu.vector_load %arg16[%swap3A_536, %swap3A_537, %swap3A_538] {strides = array<i32>} : memref<4x80x64xf32, #tpu.memory_space<vmem>>, vector<16xf32>,
        tpu.vector_store %arg16[%swap3A_536, %swap3A_537, %swap3A_538], %mul3A_535 {strides = array<i32>} : memref<4x80x64xf32, #tpu.memory_space<vmem>>, vector<16xf32>,
        %get3A_540 = arith.index_cast %rem3A_126 : i32 to index
        %get3A_541 = arith.index_cast %add3A_509 : i32 to index
        %get3A_542 = arith.constant 48 : index
        %get3A_543 = tpu.vector_load %arg16[%get3A_540, %get3A_541, %get3A_542] {strides = array<i32>} : memref<4x80x64xf32, #tpu.memory_space<vmem>>, vector<16xf32>,
        %mul3A_544 = vector.broadcast %squeeze3A_505 : f32 to vector<16xf32>
        %mul3A_545 = arith.mulf %get3A_543, %mul3A_544 : vector<16xf32>
        %swap3A_546 = arith.index_cast %rem3A_126 : i32 to index
        %swap3A_547 = arith.index_cast %add3A_509 : i32 to index
        %swap3A_548 = arith.constant 48 : index
        %swap3A_549 = tpu.vector_load %arg16[%swap3A_546, %swap3A_547, %swap3A_548] {strides = array<i32>} : memref<4x80x64xf32, #tpu.memory_space<vmem>>, vector<16xf32>,
        tpu.vector_store %arg16[%swap3A_546, %swap3A_547, %swap3A_548], %mul3A_545 {strides = array<i32>} : memref<4x80x64xf32, #tpu.memory_space<vmem>>, vector<16xf32>,
        %slice3A_550 = vector.extract_strided_slice %get3A_275 {offsets = [6], sizes = [1], strides = [1]} : vector<16xf32> to vector<1xf32>
        %squeeze3A_551 = vector.extract %slice3A_550[0] : f32 from vector<1xf32>
        %mul3A_552 = arith.constant 16 : i32
        %mul3A_553 = arith.muli %add3A_270, %mul3A_552 : i32
        %add3A_554 = arith.constant 6 : i32
        %add3A_555 = arith.addi %mul3A_553, %add3A_554 : i32
        %get3A_556 = arith.index_cast %rem3A_126 : i32 to index
        %get3A_557 = arith.index_cast %add3A_555 : i32 to index
        %get3A_558 = arith.constant 0 : index
        %get3A_559 = tpu.vector_load %arg16[%get3A_556, %get3A_557, %get3A_558] {strides = array<i32>} : memref<4x80x64xf32, #tpu.memory_space<vmem>>, vector<16xf32>,
        %mul3A_560 = vector.broadcast %squeeze3A_551 : f32 to vector<16xf32>
        %mul3A_561 = arith.mulf %get3A_559, %mul3A_560 : vector<16xf32>
        %swap3A_562 = arith.index_cast %rem3A_126 : i32 to index
        %swap3A_563 = arith.index_cast %add3A_555 : i32 to index
        %swap3A_564 = arith.constant 0 : index
        %swap3A_565 = tpu.vector_load %arg16[%swap3A_562, %swap3A_563, %swap3A_564] {strides = array<i32>} : memref<4x80x64xf32, #tpu.memory_space<vmem>>, vector<16xf32>,
        tpu.vector_store %arg16[%swap3A_562, %swap3A_563, %swap3A_564], %mul3A_561 {strides = array<i32>} : memref<4x80x64xf32, #tpu.memory_space<vmem>>, vector<16xf32>,
        %get3A_566 = arith.index_cast %rem3A_126 : i32 to index
        %get3A_567 = arith.index_cast %add3A_555 : i32 to index
        %get3A_568 = arith.constant 16 : index
        %get3A_569 = tpu.vector_load %arg16[%get3A_566, %get3A_567, %get3A_568] {strides = array<i32>} : memref<4x80x64xf32, #tpu.memory_space<vmem>>, vector<16xf32>,
        %mul3A_570 = vector.broadcast %squeeze3A_551 : f32 to vector<16xf32>
        %mul3A_571 = arith.mulf %get3A_569, %mul3A_570 : vector<16xf32>
        %swap3A_572 = arith.index_cast %rem3A_126 : i32 to index
        %swap3A_573 = arith.index_cast %add3A_555 : i32 to index
        %swap3A_574 = arith.constant 16 : index
        %swap3A_575 = tpu.vector_load %arg16[%swap3A_572, %swap3A_573, %swap3A_574] {strides = array<i32>} : memref<4x80x64xf32, #tpu.memory_space<vmem>>, vector<16xf32>,
        tpu.vector_store %arg16[%swap3A_572, %swap3A_573, %swap3A_574], %mul3A_571 {strides = array<i32>} : memref<4x80x64xf32, #tpu.memory_space<vmem>>, vector<16xf32>,
        %get3A_576 = arith.index_cast %rem3A_126 : i32 to index
        %get3A_577 = arith.index_cast %add3A_555 : i32 to index
        %get3A_578 = arith.constant 32 : index
        %get3A_579 = tpu.vector_load %arg16[%get3A_576, %get3A_577, %get3A_578] {strides = array<i32>} : memref<4x80x64xf32, #tpu.memory_space<vmem>>, vector<16xf32>,
        %mul3A_580 = vector.broadcast %squeeze3A_551 : f32 to vector<16xf32>
        %mul3A_581 = arith.mulf %get3A_579, %mul3A_580 : vector<16xf32>
        %swap3A_582 = arith.index_cast %rem3A_126 : i32 to index
        %swap3A_583 = arith.index_cast %add3A_555 : i32 to index
        %swap3A_584 = arith.constant 32 : index
        %swap3A_585 = tpu.vector_load %arg16[%swap3A_582, %swap3A_583, %swap3A_584] {strides = array<i32>} : memref<4x80x64xf32, #tpu.memory_space<vmem>>, vector<16xf32>,
        tpu.vector_store %arg16[%swap3A_582, %swap3A_583, %swap3A_584], %mul3A_581 {strides = array<i32>} : memref<4x80x64xf32, #tpu.memory_space<vmem>>, vector<16xf32>,
        %get3A_586 = arith.index_cast %rem3A_126 : i32 to index
        %get3A_587 = arith.index_cast %add3A_555 : i32 to index
        %get3A_588 = arith.constant 48 : index
        %get3A_589 = tpu.vector_load %arg16[%get3A_586, %get3A_587, %get3A_588] {strides = array<i32>} : memref<4x80x64xf32, #tpu.memory_space<vmem>>, vector<16xf32>,
        %mul3A_590 = vector.broadcast %squeeze3A_551 : f32 to vector<16xf32>
        %mul3A_591 = arith.mulf %get3A_589, %mul3A_590 : vector<16xf32>
        %swap3A_592 = arith.index_cast %rem3A_126 : i32 to index
        %swap3A_593 = arith.index_cast %add3A_555 : i32 to index
        %swap3A_594 = arith.constant 48 : index
        %swap3A_595 = tpu.vector_load %arg16[%swap3A_592, %swap3A_593, %swap3A_594] {strides = array<i32>} : memref<4x80x64xf32, #tpu.memory_space<vmem>>, vector<16xf32>,
        tpu.vector_store %arg16[%swap3A_592, %swap3A_593, %swap3A_594], %mul3A_591 {strides = array<i32>} : memref<4x80x64xf32, #tpu.memory_space<vmem>>, vector<16xf32>,
        %slice3A_596 = vector.extract_strided_slice %get3A_275 {offsets = [7], sizes = [1], strides = [1]} : vector<16xf32> to vector<1xf32>
        %squeeze3A_597 = vector.extract %slice3A_596[0] : f32 from vector<1xf32>
        %mul3A_598 = arith.constant 16 : i32
        %mul3A_599 = arith.muli %add3A_270, %mul3A_598 : i32
        %add3A_600 = arith.constant 7 : i32
        %add3A_601 = arith.addi %mul3A_599, %add3A_600 : i32
        %get3A_602 = arith.index_cast %rem3A_126 : i32 to index
        %get3A_603 = arith.index_cast %add3A_601 : i32 to index
        %get3A_604 = arith.constant 0 : index
        %get3A_605 = tpu.vector_load %arg16[%get3A_602, %get3A_603, %get3A_604] {strides = array<i32>} : memref<4x80x64xf32, #tpu.memory_space<vmem>>, vector<16xf32>,
        %mul3A_606 = vector.broadcast %squeeze3A_597 : f32 to vector<16xf32>
        %mul3A_607 = arith.mulf %get3A_605, %mul3A_606 : vector<16xf32>
        %swap3A_608 = arith.index_cast %rem3A_126 : i32 to index
        %swap3A_609 = arith.index_cast %add3A_601 : i32 to index
        %swap3A_610 = arith.constant 0 : index
        %swap3A_611 = tpu.vector_load %arg16[%swap3A_608, %swap3A_609, %swap3A_610] {strides = array<i32>} : memref<4x80x64xf32, #tpu.memory_space<vmem>>, vector<16xf32>,
        tpu.vector_store %arg16[%swap3A_608, %swap3A_609, %swap3A_610], %mul3A_607 {strides = array<i32>} : memref<4x80x64xf32, #tpu.memory_space<vmem>>, vector<16xf32>,
        %get3A_612 = arith.index_cast %rem3A_126 : i32 to index
        %get3A_613 = arith.index_cast %add3A_601 : i32 to index
        %get3A_614 = arith.constant 16 : index
        %get3A_615 = tpu.vector_load %arg16[%get3A_612, %get3A_613, %get3A_614] {strides = array<i32>} : memref<4x80x64xf32, #tpu.memory_space<vmem>>, vector<16xf32>,
        %mul3A_616 = vector.broadcast %squeeze3A_597 : f32 to vector<16xf32>
        %mul3A_617 = arith.mulf %get3A_615, %mul3A_616 : vector<16xf32>
        %swap3A_618 = arith.index_cast %rem3A_126 : i32 to index
        %swap3A_619 = arith.index_cast %add3A_601 : i32 to index
        %swap3A_620 = arith.constant 16 : index
        %swap3A_621 = tpu.vector_load %arg16[%swap3A_618, %swap3A_619, %swap3A_620] {strides = array<i32>} : memref<4x80x64xf32, #tpu.memory_space<vmem>>, vector<16xf32>,
        tpu.vector_store %arg16[%swap3A_618, %swap3A_619, %swap3A_620], %mul3A_617 {strides = array<i32>} : memref<4x80x64xf32, #tpu.memory_space<vmem>>, vector<16xf32>,
        %get3A_622 = arith.index_cast %rem3A_126 : i32 to index
        %get3A_623 = arith.index_cast %add3A_601 : i32 to index
        %get3A_624 = arith.constant 32 : index
        %get3A_625 = tpu.vector_load %arg16[%get3A_622, %get3A_623, %get3A_624] {strides = array<i32>} : memref<4x80x64xf32, #tpu.memory_space<vmem>>, vector<16xf32>,
        %mul3A_626 = vector.broadcast %squeeze3A_597 : f32 to vector<16xf32>
        %mul3A_627 = arith.mulf %get3A_625, %mul3A_626 : vector<16xf32>
        %swap3A_628 = arith.index_cast %rem3A_126 : i32 to index
        %swap3A_629 = arith.index_cast %add3A_601 : i32 to index
        %swap3A_630 = arith.constant 32 : index
        %swap3A_631 = tpu.vector_load %arg16[%swap3A_628, %swap3A_629, %swap3A_630] {strides = array<i32>} : memref<4x80x64xf32, #tpu.memory_space<vmem>>, vector<16xf32>,
        tpu.vector_store %arg16[%swap3A_628, %swap3A_629, %swap3A_630], %mul3A_627 {strides = array<i32>} : memref<4x80x64xf32, #tpu.memory_space<vmem>>, vector<16xf32>,
        %get3A_632 = arith.index_cast %rem3A_126 : i32 to index
        %get3A_633 = arith.index_cast %add3A_601 : i32 to index
        %get3A_634 = arith.constant 48 : index
        %get3A_635 = tpu.vector_load %arg16[%get3A_632, %get3A_633, %get3A_634] {strides = array<i32>} : memref<4x80x64xf32, #tpu.memory_space<vmem>>, vector<16xf32>,
        %mul3A_636 = vector.broadcast %squeeze3A_597 : f32 to vector<16xf32>
        %mul3A_637 = arith.mulf %get3A_635, %mul3A_636 : vector<16xf32>
        %swap3A_638 = arith.index_cast %rem3A_126 : i32 to index
        %swap3A_639 = arith.index_cast %add3A_601 : i32 to index
        %swap3A_640 = arith.constant 48 : index
        %swap3A_641 = tpu.vector_load %arg16[%swap3A_638, %swap3A_639, %swap3A_640] {strides = array<i32>} : memref<4x80x64xf32, #tpu.memory_space<vmem>>, vector<16xf32>,
        tpu.vector_store %arg16[%swap3A_638, %swap3A_639, %swap3A_640], %mul3A_637 {strides = array<i32>} : memref<4x80x64xf32, #tpu.memory_space<vmem>>, vector<16xf32>,
        %slice3A_642 = vector.extract_strided_slice %get3A_275 {offsets = [8], sizes = [1], strides = [1]} : vector<16xf32> to vector<1xf32>
        %squeeze3A_643 = vector.extract %slice3A_642[0] : f32 from vector<1xf32>
        %mul3A_644 = arith.constant 16 : i32
        %mul3A_645 = arith.muli %add3A_270, %mul3A_644 : i32
        %add3A_646 = arith.constant 8 : i32
        %add3A_647 = arith.addi %mul3A_645, %add3A_646 : i32
        %get3A_648 = arith.index_cast %rem3A_126 : i32 to index
        %get3A_649 = arith.index_cast %add3A_647 : i32 to index
        %get3A_650 = arith.constant 0 : index
        %get3A_651 = tpu.vector_load %arg16[%get3A_648, %get3A_649, %get3A_650] {strides = array<i32>} : memref<4x80x64xf32, #tpu.memory_space<vmem>>, vector<16xf32>,
        %mul3A_652 = vector.broadcast %squeeze3A_643 : f32 to vector<16xf32>
        %mul3A_653 = arith.mulf %get3A_651, %mul3A_652 : vector<16xf32>
        %swap3A_654 = arith.index_cast %rem3A_126 : i32 to index
        %swap3A_655 = arith.index_cast %add3A_647 : i32 to index
        %swap3A_656 = arith.constant 0 : index
        %swap3A_657 = tpu.vector_load %arg16[%swap3A_654, %swap3A_655, %swap3A_656] {strides = array<i32>} : memref<4x80x64xf32, #tpu.memory_space<vmem>>, vector<16xf32>,
        tpu.vector_store %arg16[%swap3A_654, %swap3A_655, %swap3A_656], %mul3A_653 {strides = array<i32>} : memref<4x80x64xf32, #tpu.memory_space<vmem>>, vector<16xf32>,
        %get3A_658 = arith.index_cast %rem3A_126 : i32 to index
        %get3A_659 = arith.index_cast %add3A_647 : i32 to index
        %get3A_660 = arith.constant 16 : index
        %get3A_661 = tpu.vector_load %arg16[%get3A_658, %get3A_659, %get3A_660] {strides = array<i32>} : memref<4x80x64xf32, #tpu.memory_space<vmem>>, vector<16xf32>,
        %mul3A_662 = vector.broadcast %squeeze3A_643 : f32 to vector<16xf32>
        %mul3A_663 = arith.mulf %get3A_661, %mul3A_662 : vector<16xf32>
        %swap3A_664 = arith.index_cast %rem3A_126 : i32 to index
        %swap3A_665 = arith.index_cast %add3A_647 : i32 to index
        %swap3A_666 = arith.constant 16 : index
        %swap3A_667 = tpu.vector_load %arg16[%swap3A_664, %swap3A_665, %swap3A_666] {strides = array<i32>} : memref<4x80x64xf32, #tpu.memory_space<vmem>>, vector<16xf32>,
        tpu.vector_store %arg16[%swap3A_664, %swap3A_665, %swap3A_666], %mul3A_663 {strides = array<i32>} : memref<4x80x64xf32, #tpu.memory_space<vmem>>, vector<16xf32>,
        %get3A_668 = arith.index_cast %rem3A_126 : i32 to index
        %get3A_669 = arith.index_cast %add3A_647 : i32 to index
        %get3A_670 = arith.constant 32 : index
        %get3A_671 = tpu.vector_load %arg16[%get3A_668, %get3A_669, %get3A_670] {strides = array<i32>} : memref<4x80x64xf32, #tpu.memory_space<vmem>>, vector<16xf32>,
        %mul3A_672 = vector.broadcast %squeeze3A_643 : f32 to vector<16xf32>
        %mul3A_673 = arith.mulf %get3A_671, %mul3A_672 : vector<16xf32>
        %swap3A_674 = arith.index_cast %rem3A_126 : i32 to index
        %swap3A_675 = arith.index_cast %add3A_647 : i32 to index
        %swap3A_676 = arith.constant 32 : index
        %swap3A_677 = tpu.vector_load %arg16[%swap3A_674, %swap3A_675, %swap3A_676] {strides = array<i32>} : memref<4x80x64xf32, #tpu.memory_space<vmem>>, vector<16xf32>,
        tpu.vector_store %arg16[%swap3A_674, %swap3A_675, %swap3A_676], %mul3A_673 {strides = array<i32>} : memref<4x80x64xf32, #tpu.memory_space<vmem>>, vector<16xf32>,
        %get3A_678 = arith.index_cast %rem3A_126 : i32 to index
        %get3A_679 = arith.index_cast %add3A_647 : i32 to index
        %get3A_680 = arith.constant 48 : index
        %get3A_681 = tpu.vector_load %arg16[%get3A_678, %get3A_679, %get3A_680] {strides = array<i32>} : memref<4x80x64xf32, #tpu.memory_space<vmem>>, vector<16xf32>,
        %mul3A_682 = vector.broadcast %squeeze3A_643 : f32 to vector<16xf32>
        %mul3A_683 = arith.mulf %get3A_681, %mul3A_682 : vector<16xf32>
        %swap3A_684 = arith.index_cast %rem3A_126 : i32 to index
        %swap3A_685 = arith.index_cast %add3A_647 : i32 to index
        %swap3A_686 = arith.constant 48 : index
        %swap3A_687 = tpu.vector_load %arg16[%swap3A_684, %swap3A_685, %swap3A_686] {strides = array<i32>} : memref<4x80x64xf32, #tpu.memory_space<vmem>>, vector<16xf32>,
        tpu.vector_store %arg16[%swap3A_684, %swap3A_685, %swap3A_686], %mul3A_683 {strides = array<i32>} : memref<4x80x64xf32, #tpu.memory_space<vmem>>, vector<16xf32>,
        %slice3A_688 = vector.extract_strided_slice %get3A_275 {offsets = [9], sizes = [1], strides = [1]} : vector<16xf32> to vector<1xf32>
        %squeeze3A_689 = vector.extract %slice3A_688[0] : f32 from vector<1xf32>
        %mul3A_690 = arith.constant 16 : i32
        %mul3A_691 = arith.muli %add3A_270, %mul3A_690 : i32
        %add3A_692 = arith.constant 9 : i32
        %add3A_693 = arith.addi %mul3A_691, %add3A_692 : i32
        %get3A_694 = arith.index_cast %rem3A_126 : i32 to index
        %get3A_695 = arith.index_cast %add3A_693 : i32 to index
        %get3A_696 = arith.constant 0 : index
        %get3A_697 = tpu.vector_load %arg16[%get3A_694, %get3A_695, %get3A_696] {strides = array<i32>} : memref<4x80x64xf32, #tpu.memory_space<vmem>>, vector<16xf32>,
        %mul3A_698 = vector.broadcast %squeeze3A_689 : f32 to vector<16xf32>
        %mul3A_699 = arith.mulf %get3A_697, %mul3A_698 : vector<16xf32>
        %swap3A_700 = arith.index_cast %rem3A_126 : i32 to index
        %swap3A_701 = arith.index_cast %add3A_693 : i32 to index
        %swap3A_702 = arith.constant 0 : index
        %swap3A_703 = tpu.vector_load %arg16[%swap3A_700, %swap3A_701, %swap3A_702] {strides = array<i32>} : memref<4x80x64xf32, #tpu.memory_space<vmem>>, vector<16xf32>,
        tpu.vector_store %arg16[%swap3A_700, %swap3A_701, %swap3A_702], %mul3A_699 {strides = array<i32>} : memref<4x80x64xf32, #tpu.memory_space<vmem>>, vector<16xf32>,
        %get3A_704 = arith.index_cast %rem3A_126 : i32 to index
        %get3A_705 = arith.index_cast %add3A_693 : i32 to index
        %get3A_706 = arith.constant 16 : index
        %get3A_707 = tpu.vector_load %arg16[%get3A_704, %get3A_705, %get3A_706] {strides = array<i32>} : memref<4x80x64xf32, #tpu.memory_space<vmem>>, vector<16xf32>,
        %mul3A_708 = vector.broadcast %squeeze3A_689 : f32 to vector<16xf32>
        %mul3A_709 = arith.mulf %get3A_707, %mul3A_708 : vector<16xf32>
        %swap3A_710 = arith.index_cast %rem3A_126 : i32 to index
        %swap3A_711 = arith.index_cast %add3A_693 : i32 to index
        %swap3A_712 = arith.constant 16 : index
        %swap3A_713 = tpu.vector_load %arg16[%swap3A_710, %swap3A_711, %swap3A_712] {strides = array<i32>} : memref<4x80x64xf32, #tpu.memory_space<vmem>>, vector<16xf32>,
        tpu.vector_store %arg16[%swap3A_710, %swap3A_711, %swap3A_712], %mul3A_709 {strides = array<i32>} : memref<4x80x64xf32, #tpu.memory_space<vmem>>, vector<16xf32>,
        %get3A_714 = arith.index_cast %rem3A_126 : i32 to index
        %get3A_715 = arith.index_cast %add3A_693 : i32 to index
        %get3A_716 = arith.constant 32 : index
        %get3A_717 = tpu.vector_load %arg16[%get3A_714, %get3A_715, %get3A_716] {strides = array<i32>} : memref<4x80x64xf32, #tpu.memory_space<vmem>>, vector<16xf32>,
        %mul3A_718 = vector.broadcast %squeeze3A_689 : f32 to vector<16xf32>
        %mul3A_719 = arith.mulf %get3A_717, %mul3A_718 : vector<16xf32>
        %swap3A_720 = arith.index_cast %rem3A_126 : i32 to index
        %swap3A_721 = arith.index_cast %add3A_693 : i32 to index
        %swap3A_722 = arith.constant 32 : index
        %swap3A_723 = tpu.vector_load %arg16[%swap3A_720, %swap3A_721, %swap3A_722] {strides = array<i32>} : memref<4x80x64xf32, #tpu.memory_space<vmem>>, vector<16xf32>,
        tpu.vector_store %arg16[%swap3A_720, %swap3A_721, %swap3A_722], %mul3A_719 {strides = array<i32>} : memref<4x80x64xf32, #tpu.memory_space<vmem>>, vector<16xf32>,
        %get3A_724 = arith.index_cast %rem3A_126 : i32 to index
        %get3A_725 = arith.index_cast %add3A_693 : i32 to index
        %get3A_726 = arith.constant 48 : index
        %get3A_727 = tpu.vector_load %arg16[%get3A_724, %get3A_725, %get3A_726] {strides = array<i32>} : memref<4x80x64xf32, #tpu.memory_space<vmem>>, vector<16xf32>,
        %mul3A_728 = vector.broadcast %squeeze3A_689 : f32 to vector<16xf32>
        %mul3A_729 = arith.mulf %get3A_727, %mul3A_728 : vector<16xf32>
        %swap3A_730 = arith.index_cast %rem3A_126 : i32 to index
        %swap3A_731 = arith.index_cast %add3A_693 : i32 to index
        %swap3A_732 = arith.constant 48 : index
        %swap3A_733 = tpu.vector_load %arg16[%swap3A_730, %swap3A_731, %swap3A_732] {strides = array<i32>} : memref<4x80x64xf32, #tpu.memory_space<vmem>>, vector<16xf32>,
        tpu.vector_store %arg16[%swap3A_730, %swap3A_731, %swap3A_732], %mul3A_729 {strides = array<i32>} : memref<4x80x64xf32, #tpu.memory_space<vmem>>, vector<16xf32>,
        %slice3A_734 = vector.extract_strided_slice %get3A_275 {offsets = [10], sizes = [1], strides = [1]} : vector<16xf32> to vector<1xf32>
        %squeeze3A_735 = vector.extract %slice3A_734[0] : f32 from vector<1xf32>
        %mul3A_736 = arith.constant 16 : i32
        %mul3A_737 = arith.muli %add3A_270, %mul3A_736 : i32
        %add3A_738 = arith.constant 10 : i32
        %add3A_739 = arith.addi %mul3A_737, %add3A_738 : i32
        %get3A_740 = arith.index_cast %rem3A_126 : i32 to index
        %get3A_741 = arith.index_cast %add3A_739 : i32 to index
        %get3A_742 = arith.constant 0 : index
        %get3A_743 = tpu.vector_load %arg16[%get3A_740, %get3A_741, %get3A_742] {strides = array<i32>} : memref<4x80x64xf32, #tpu.memory_space<vmem>>, vector<16xf32>,
        %mul3A_744 = vector.broadcast %squeeze3A_735 : f32 to vector<16xf32>
        %mul3A_745 = arith.mulf %get3A_743, %mul3A_744 : vector<16xf32>
        %swap3A_746 = arith.index_cast %rem3A_126 : i32 to index
        %swap3A_747 = arith.index_cast %add3A_739 : i32 to index
        %swap3A_748 = arith.constant 0 : index
        %swap3A_749 = tpu.vector_load %arg16[%swap3A_746, %swap3A_747, %swap3A_748] {strides = array<i32>} : memref<4x80x64xf32, #tpu.memory_space<vmem>>, vector<16xf32>,
        tpu.vector_store %arg16[%swap3A_746, %swap3A_747, %swap3A_748], %mul3A_745 {strides = array<i32>} : memref<4x80x64xf32, #tpu.memory_space<vmem>>, vector<16xf32>,
        %get3A_750 = arith.index_cast %rem3A_126 : i32 to index
        %get3A_751 = arith.index_cast %add3A_739 : i32 to index
        %get3A_752 = arith.constant 16 : index
        %get3A_753 = tpu.vector_load %arg16[%get3A_750, %get3A_751, %get3A_752] {strides = array<i32>} : memref<4x80x64xf32, #tpu.memory_space<vmem>>, vector<16xf32>,
        %mul3A_754 = vector.broadcast %squeeze3A_735 : f32 to vector<16xf32>
        %mul3A_755 = arith.mulf %get3A_753, %mul3A_754 : vector<16xf32>
        %swap3A_756 = arith.index_cast %rem3A_126 : i32 to index
        %swap3A_757 = arith.index_cast %add3A_739 : i32 to index
        %swap3A_758 = arith.constant 16 : index
        %swap3A_759 = tpu.vector_load %arg16[%swap3A_756, %swap3A_757, %swap3A_758] {strides = array<i32>} : memref<4x80x64xf32, #tpu.memory_space<vmem>>, vector<16xf32>,
        tpu.vector_store %arg16[%swap3A_756, %swap3A_757, %swap3A_758], %mul3A_755 {strides = array<i32>} : memref<4x80x64xf32, #tpu.memory_space<vmem>>, vector<16xf32>,
        %get3A_760 = arith.index_cast %rem3A_126 : i32 to index
        %get3A_761 = arith.index_cast %add3A_739 : i32 to index
        %get3A_762 = arith.constant 32 : index
        %get3A_763 = tpu.vector_load %arg16[%get3A_760, %get3A_761, %get3A_762] {strides = array<i32>} : memref<4x80x64xf32, #tpu.memory_space<vmem>>, vector<16xf32>,
        %mul3A_764 = vector.broadcast %squeeze3A_735 : f32 to vector<16xf32>
        %mul3A_765 = arith.mulf %get3A_763, %mul3A_764 : vector<16xf32>
        %swap3A_766 = arith.index_cast %rem3A_126 : i32 to index
        %swap3A_767 = arith.index_cast %add3A_739 : i32 to index
        %swap3A_768 = arith.constant 32 : index
        %swap3A_769 = tpu.vector_load %arg16[%swap3A_766, %swap3A_767, %swap3A_768] {strides = array<i32>} : memref<4x80x64xf32, #tpu.memory_space<vmem>>, vector<16xf32>,
        tpu.vector_store %arg16[%swap3A_766, %swap3A_767, %swap3A_768], %mul3A_765 {strides = array<i32>} : memref<4x80x64xf32, #tpu.memory_space<vmem>>, vector<16xf32>,
        %get3A_770 = arith.index_cast %rem3A_126 : i32 to index
        %get3A_771 = arith.index_cast %add3A_739 : i32 to index
        %get3A_772 = arith.constant 48 : index
        %get3A_773 = tpu.vector_load %arg16[%get3A_770, %get3A_771, %get3A_772] {strides = array<i32>} : memref<4x80x64xf32, #tpu.memory_space<vmem>>, vector<16xf32>,
        %mul3A_774 = vector.broadcast %squeeze3A_735 : f32 to vector<16xf32>
        %mul3A_775 = arith.mulf %get3A_773, %mul3A_774 : vector<16xf32>
        %swap3A_776 = arith.index_cast %rem3A_126 : i32 to index
        %swap3A_777 = arith.index_cast %add3A_739 : i32 to index
        %swap3A_778 = arith.constant 48 : index
        %swap3A_779 = tpu.vector_load %arg16[%swap3A_776, %swap3A_777, %swap3A_778] {strides = array<i32>} : memref<4x80x64xf32, #tpu.memory_space<vmem>>, vector<16xf32>,
        tpu.vector_store %arg16[%swap3A_776, %swap3A_777, %swap3A_778], %mul3A_775 {strides = array<i32>} : memref<4x80x64xf32, #tpu.memory_space<vmem>>, vector<16xf32>,
        %slice3A_780 = vector.extract_strided_slice %get3A_275 {offsets = [11], sizes = [1], strides = [1]} : vector<16xf32> to vector<1xf32>
        %squeeze3A_781 = vector.extract %slice3A_780[0] : f32 from vector<1xf32>
        %mul3A_782 = arith.constant 16 : i32
        %mul3A_783 = arith.muli %add3A_270, %mul3A_782 : i32
        %add3A_784 = arith.constant 11 : i32
        %add3A_785 = arith.addi %mul3A_783, %add3A_784 : i32
        %get3A_786 = arith.index_cast %rem3A_126 : i32 to index
        %get3A_787 = arith.index_cast %add3A_785 : i32 to index
        %get3A_788 = arith.constant 0 : index
        %get3A_789 = tpu.vector_load %arg16[%get3A_786, %get3A_787, %get3A_788] {strides = array<i32>} : memref<4x80x64xf32, #tpu.memory_space<vmem>>, vector<16xf32>,
        %mul3A_790 = vector.broadcast %squeeze3A_781 : f32 to vector<16xf32>
        %mul3A_791 = arith.mulf %get3A_789, %mul3A_790 : vector<16xf32>
        %swap3A_792 = arith.index_cast %rem3A_126 : i32 to index
        %swap3A_793 = arith.index_cast %add3A_785 : i32 to index
        %swap3A_794 = arith.constant 0 : index
        %swap3A_795 = tpu.vector_load %arg16[%swap3A_792, %swap3A_793, %swap3A_794] {strides = array<i32>} : memref<4x80x64xf32, #tpu.memory_space<vmem>>, vector<16xf32>,
        tpu.vector_store %arg16[%swap3A_792, %swap3A_793, %swap3A_794], %mul3A_791 {strides = array<i32>} : memref<4x80x64xf32, #tpu.memory_space<vmem>>, vector<16xf32>,
        %get3A_796 = arith.index_cast %rem3A_126 : i32 to index
        %get3A_797 = arith.index_cast %add3A_785 : i32 to index
        %get3A_798 = arith.constant 16 : index
        %get3A_799 = tpu.vector_load %arg16[%get3A_796, %get3A_797, %get3A_798] {strides = array<i32>} : memref<4x80x64xf32, #tpu.memory_space<vmem>>, vector<16xf32>,
        %mul3A_800 = vector.broadcast %squeeze3A_781 : f32 to vector<16xf32>
        %mul3A_801 = arith.mulf %get3A_799, %mul3A_800 : vector<16xf32>
        %swap3A_802 = arith.index_cast %rem3A_126 : i32 to index
        %swap3A_803 = arith.index_cast %add3A_785 : i32 to index
        %swap3A_804 = arith.constant 16 : index
        %swap3A_805 = tpu.vector_load %arg16[%swap3A_802, %swap3A_803, %swap3A_804] {strides = array<i32>} : memref<4x80x64xf32, #tpu.memory_space<vmem>>, vector<16xf32>,
        tpu.vector_store %arg16[%swap3A_802, %swap3A_803, %swap3A_804], %mul3A_801 {strides = array<i32>} : memref<4x80x64xf32, #tpu.memory_space<vmem>>, vector<16xf32>,
        %get3A_806 = arith.index_cast %rem3A_126 : i32 to index
        %get3A_807 = arith.index_cast %add3A_785 : i32 to index
        %get3A_808 = arith.constant 32 : index
        %get3A_809 = tpu.vector_load %arg16[%get3A_806, %get3A_807, %get3A_808] {strides = array<i32>} : memref<4x80x64xf32, #tpu.memory_space<vmem>>, vector<16xf32>,
        %mul3A_810 = vector.broadcast %squeeze3A_781 : f32 to vector<16xf32>
        %mul3A_811 = arith.mulf %get3A_809, %mul3A_810 : vector<16xf32>
        %swap3A_812 = arith.index_cast %rem3A_126 : i32 to index
        %swap3A_813 = arith.index_cast %add3A_785 : i32 to index
        %swap3A_814 = arith.constant 32 : index
        %swap3A_815 = tpu.vector_load %arg16[%swap3A_812, %swap3A_813, %swap3A_814] {strides = array<i32>} : memref<4x80x64xf32, #tpu.memory_space<vmem>>, vector<16xf32>,
        tpu.vector_store %arg16[%swap3A_812, %swap3A_813, %swap3A_814], %mul3A_811 {strides = array<i32>} : memref<4x80x64xf32, #tpu.memory_space<vmem>>, vector<16xf32>,
        %get3A_816 = arith.index_cast %rem3A_126 : i32 to index
        %get3A_817 = arith.index_cast %add3A_785 : i32 to index
        %get3A_818 = arith.constant 48 : index
        %get3A_819 = tpu.vector_load %arg16[%get3A_816, %get3A_817, %get3A_818] {strides = array<i32>} : memref<4x80x64xf32, #tpu.memory_space<vmem>>, vector<16xf32>,
        %mul3A_820 = vector.broadcast %squeeze3A_781 : f32 to vector<16xf32>
        %mul3A_821 = arith.mulf %get3A_819, %mul3A_820 : vector<16xf32>
        %swap3A_822 = arith.index_cast %rem3A_126 : i32 to index
        %swap3A_823 = arith.index_cast %add3A_785 : i32 to index
        %swap3A_824 = arith.constant 48 : index
        %swap3A_825 = tpu.vector_load %arg16[%swap3A_822, %swap3A_823, %swap3A_824] {strides = array<i32>} : memref<4x80x64xf32, #tpu.memory_space<vmem>>, vector<16xf32>,
        tpu.vector_store %arg16[%swap3A_822, %swap3A_823, %swap3A_824], %mul3A_821 {strides = array<i32>} : memref<4x80x64xf32, #tpu.memory_space<vmem>>, vector<16xf32>,
        %slice3A_826 = vector.extract_strided_slice %get3A_275 {offsets = [12], sizes = [1], strides = [1]} : vector<16xf32> to vector<1xf32>
        %squeeze3A_827 = vector.extract %slice3A_826[0] : f32 from vector<1xf32>
        %mul3A_828 = arith.constant 16 : i32
        %mul3A_829 = arith.muli %add3A_270, %mul3A_828 : i32
        %add3A_830 = arith.constant 12 : i32
        %add3A_831 = arith.addi %mul3A_829, %add3A_830 : i32
        %get3A_832 = arith.index_cast %rem3A_126 : i32 to index
        %get3A_833 = arith.index_cast %add3A_831 : i32 to index
        %get3A_834 = arith.constant 0 : index
        %get3A_835 = tpu.vector_load %arg16[%get3A_832, %get3A_833, %get3A_834] {strides = array<i32>} : memref<4x80x64xf32, #tpu.memory_space<vmem>>, vector<16xf32>,
        %mul3A_836 = vector.broadcast %squeeze3A_827 : f32 to vector<16xf32>
        %mul3A_837 = arith.mulf %get3A_835, %mul3A_836 : vector<16xf32>
        %swap3A_838 = arith.index_cast %rem3A_126 : i32 to index
        %swap3A_839 = arith.index_cast %add3A_831 : i32 to index
        %swap3A_840 = arith.constant 0 : index
        %swap3A_841 = tpu.vector_load %arg16[%swap3A_838, %swap3A_839, %swap3A_840] {strides = array<i32>} : memref<4x80x64xf32, #tpu.memory_space<vmem>>, vector<16xf32>,
        tpu.vector_store %arg16[%swap3A_838, %swap3A_839, %swap3A_840], %mul3A_837 {strides = array<i32>} : memref<4x80x64xf32, #tpu.memory_space<vmem>>, vector<16xf32>,
        %get3A_842 = arith.index_cast %rem3A_126 : i32 to index
        %get3A_843 = arith.index_cast %add3A_831 : i32 to index
        %get3A_844 = arith.constant 16 : index
        %get3A_845 = tpu.vector_load %arg16[%get3A_842, %get3A_843, %get3A_844] {strides = array<i32>} : memref<4x80x64xf32, #tpu.memory_space<vmem>>, vector<16xf32>,
        %mul3A_846 = vector.broadcast %squeeze3A_827 : f32 to vector<16xf32>
        %mul3A_847 = arith.mulf %get3A_845, %mul3A_846 : vector<16xf32>
        %swap3A_848 = arith.index_cast %rem3A_126 : i32 to index
        %swap3A_849 = arith.index_cast %add3A_831 : i32 to index
        %swap3A_850 = arith.constant 16 : index
        %swap3A_851 = tpu.vector_load %arg16[%swap3A_848, %swap3A_849, %swap3A_850] {strides = array<i32>} : memref<4x80x64xf32, #tpu.memory_space<vmem>>, vector<16xf32>,
        tpu.vector_store %arg16[%swap3A_848, %swap3A_849, %swap3A_850], %mul3A_847 {strides = array<i32>} : memref<4x80x64xf32, #tpu.memory_space<vmem>>, vector<16xf32>,
        %get3A_852 = arith.index_cast %rem3A_126 : i32 to index
        %get3A_853 = arith.index_cast %add3A_831 : i32 to index
        %get3A_854 = arith.constant 32 : index
        %get3A_855 = tpu.vector_load %arg16[%get3A_852, %get3A_853, %get3A_854] {strides = array<i32>} : memref<4x80x64xf32, #tpu.memory_space<vmem>>, vector<16xf32>,
        %mul3A_856 = vector.broadcast %squeeze3A_827 : f32 to vector<16xf32>
        %mul3A_857 = arith.mulf %get3A_855, %mul3A_856 : vector<16xf32>
        %swap3A_858 = arith.index_cast %rem3A_126 : i32 to index
        %swap3A_859 = arith.index_cast %add3A_831 : i32 to index
        %swap3A_860 = arith.constant 32 : index
        %swap3A_861 = tpu.vector_load %arg16[%swap3A_858, %swap3A_859, %swap3A_860] {strides = array<i32>} : memref<4x80x64xf32, #tpu.memory_space<vmem>>, vector<16xf32>,
        tpu.vector_store %arg16[%swap3A_858, %swap3A_859, %swap3A_860], %mul3A_857 {strides = array<i32>} : memref<4x80x64xf32, #tpu.memory_space<vmem>>, vector<16xf32>,
        %get3A_862 = arith.index_cast %rem3A_126 : i32 to index
        %get3A_863 = arith.index_cast %add3A_831 : i32 to index
        %get3A_864 = arith.constant 48 : index
        %get3A_865 = tpu.vector_load %arg16[%get3A_862, %get3A_863, %get3A_864] {strides = array<i32>} : memref<4x80x64xf32, #tpu.memory_space<vmem>>, vector<16xf32>,
        %mul3A_866 = vector.broadcast %squeeze3A_827 : f32 to vector<16xf32>
        %mul3A_867 = arith.mulf %get3A_865, %mul3A_866 : vector<16xf32>
        %swap3A_868 = arith.index_cast %rem3A_126 : i32 to index
        %swap3A_869 = arith.index_cast %add3A_831 : i32 to index
        %swap3A_870 = arith.constant 48 : index
        %swap3A_871 = tpu.vector_load %arg16[%swap3A_868, %swap3A_869, %swap3A_870] {strides = array<i32>} : memref<4x80x64xf32, #tpu.memory_space<vmem>>, vector<16xf32>,
        tpu.vector_store %arg16[%swap3A_868, %swap3A_869, %swap3A_870], %mul3A_867 {strides = array<i32>} : memref<4x80x64xf32, #tpu.memory_space<vmem>>, vector<16xf32>,
        %slice3A_872 = vector.extract_strided_slice %get3A_275 {offsets = [13], sizes = [1], strides = [1]} : vector<16xf32> to vector<1xf32>
        %squeeze3A_873 = vector.extract %slice3A_872[0] : f32 from vector<1xf32>
        %mul3A_874 = arith.constant 16 : i32
        %mul3A_875 = arith.muli %add3A_270, %mul3A_874 : i32
        %add3A_876 = arith.constant 13 : i32
        %add3A_877 = arith.addi %mul3A_875, %add3A_876 : i32
        %get3A_878 = arith.index_cast %rem3A_126 : i32 to index
        %get3A_879 = arith.index_cast %add3A_877 : i32 to index
        %get3A_880 = arith.constant 0 : index
        %get3A_881 = tpu.vector_load %arg16[%get3A_878, %get3A_879, %get3A_880] {strides = array<i32>} : memref<4x80x64xf32, #tpu.memory_space<vmem>>, vector<16xf32>,
        %mul3A_882 = vector.broadcast %squeeze3A_873 : f32 to vector<16xf32>
        %mul3A_883 = arith.mulf %get3A_881, %mul3A_882 : vector<16xf32>
        %swap3A_884 = arith.index_cast %rem3A_126 : i32 to index
        %swap3A_885 = arith.index_cast %add3A_877 : i32 to index
        %swap3A_886 = arith.constant 0 : index
        %swap3A_887 = tpu.vector_load %arg16[%swap3A_884, %swap3A_885, %swap3A_886] {strides = array<i32>} : memref<4x80x64xf32, #tpu.memory_space<vmem>>, vector<16xf32>,
        tpu.vector_store %arg16[%swap3A_884, %swap3A_885, %swap3A_886], %mul3A_883 {strides = array<i32>} : memref<4x80x64xf32, #tpu.memory_space<vmem>>, vector<16xf32>,
        %get3A_888 = arith.index_cast %rem3A_126 : i32 to index
        %get3A_889 = arith.index_cast %add3A_877 : i32 to index
        %get3A_890 = arith.constant 16 : index
        %get3A_891 = tpu.vector_load %arg16[%get3A_888, %get3A_889, %get3A_890] {strides = array<i32>} : memref<4x80x64xf32, #tpu.memory_space<vmem>>, vector<16xf32>,
        %mul3A_892 = vector.broadcast %squeeze3A_873 : f32 to vector<16xf32>
        %mul3A_893 = arith.mulf %get3A_891, %mul3A_892 : vector<16xf32>
        %swap3A_894 = arith.index_cast %rem3A_126 : i32 to index
        %swap3A_895 = arith.index_cast %add3A_877 : i32 to index
        %swap3A_896 = arith.constant 16 : index
        %swap3A_897 = tpu.vector_load %arg16[%swap3A_894, %swap3A_895, %swap3A_896] {strides = array<i32>} : memref<4x80x64xf32, #tpu.memory_space<vmem>>, vector<16xf32>,
        tpu.vector_store %arg16[%swap3A_894, %swap3A_895, %swap3A_896], %mul3A_893 {strides = array<i32>} : memref<4x80x64xf32, #tpu.memory_space<vmem>>, vector<16xf32>,
        %get3A_898 = arith.index_cast %rem3A_126 : i32 to index
        %get3A_899 = arith.index_cast %add3A_877 : i32 to index
        %get3A_900 = arith.constant 32 : index
        %get3A_901 = tpu.vector_load %arg16[%get3A_898, %get3A_899, %get3A_900] {strides = array<i32>} : memref<4x80x64xf32, #tpu.memory_space<vmem>>, vector<16xf32>,
        %mul3A_902 = vector.broadcast %squeeze3A_873 : f32 to vector<16xf32>
        %mul3A_903 = arith.mulf %get3A_901, %mul3A_902 : vector<16xf32>
        %swap3A_904 = arith.index_cast %rem3A_126 : i32 to index
        %swap3A_905 = arith.index_cast %add3A_877 : i32 to index
        %swap3A_906 = arith.constant 32 : index
        %swap3A_907 = tpu.vector_load %arg16[%swap3A_904, %swap3A_905, %swap3A_906] {strides = array<i32>} : memref<4x80x64xf32, #tpu.memory_space<vmem>>, vector<16xf32>,
        tpu.vector_store %arg16[%swap3A_904, %swap3A_905, %swap3A_906], %mul3A_903 {strides = array<i32>} : memref<4x80x64xf32, #tpu.memory_space<vmem>>, vector<16xf32>,
        %get3A_908 = arith.index_cast %rem3A_126 : i32 to index
        %get3A_909 = arith.index_cast %add3A_877 : i32 to index
        %get3A_910 = arith.constant 48 : index
        %get3A_911 = tpu.vector_load %arg16[%get3A_908, %get3A_909, %get3A_910] {strides = array<i32>} : memref<4x80x64xf32, #tpu.memory_space<vmem>>, vector<16xf32>,
        %mul3A_912 = vector.broadcast %squeeze3A_873 : f32 to vector<16xf32>
        %mul3A_913 = arith.mulf %get3A_911, %mul3A_912 : vector<16xf32>
        %swap3A_914 = arith.index_cast %rem3A_126 : i32 to index
        %swap3A_915 = arith.index_cast %add3A_877 : i32 to index
        %swap3A_916 = arith.constant 48 : index
        %swap3A_917 = tpu.vector_load %arg16[%swap3A_914, %swap3A_915, %swap3A_916] {strides = array<i32>} : memref<4x80x64xf32, #tpu.memory_space<vmem>>, vector<16xf32>,
        tpu.vector_store %arg16[%swap3A_914, %swap3A_915, %swap3A_916], %mul3A_913 {strides = array<i32>} : memref<4x80x64xf32, #tpu.memory_space<vmem>>, vector<16xf32>,
        %slice3A_918 = vector.extract_strided_slice %get3A_275 {offsets = [14], sizes = [1], strides = [1]} : vector<16xf32> to vector<1xf32>
        %squeeze3A_919 = vector.extract %slice3A_918[0] : f32 from vector<1xf32>
        %mul3A_920 = arith.constant 16 : i32
        %mul3A_921 = arith.muli %add3A_270, %mul3A_920 : i32
        %add3A_922 = arith.constant 14 : i32
        %add3A_923 = arith.addi %mul3A_921, %add3A_922 : i32
        %get3A_924 = arith.index_cast %rem3A_126 : i32 to index
        %get3A_925 = arith.index_cast %add3A_923 : i32 to index
        %get3A_926 = arith.constant 0 : index
        %get3A_927 = tpu.vector_load %arg16[%get3A_924, %get3A_925, %get3A_926] {strides = array<i32>} : memref<4x80x64xf32, #tpu.memory_space<vmem>>, vector<16xf32>,
        %mul3A_928 = vector.broadcast %squeeze3A_919 : f32 to vector<16xf32>
        %mul3A_929 = arith.mulf %get3A_927, %mul3A_928 : vector<16xf32>
        %swap3A_930 = arith.index_cast %rem3A_126 : i32 to index
        %swap3A_931 = arith.index_cast %add3A_923 : i32 to index
        %swap3A_932 = arith.constant 0 : index
        %swap3A_933 = tpu.vector_load %arg16[%swap3A_930, %swap3A_931, %swap3A_932] {strides = array<i32>} : memref<4x80x64xf32, #tpu.memory_space<vmem>>, vector<16xf32>,
        tpu.vector_store %arg16[%swap3A_930, %swap3A_931, %swap3A_932], %mul3A_929 {strides = array<i32>} : memref<4x80x64xf32, #tpu.memory_space<vmem>>, vector<16xf32>,
        %get3A_934 = arith.index_cast %rem3A_126 : i32 to index
        %get3A_935 = arith.index_cast %add3A_923 : i32 to index
        %get3A_936 = arith.constant 16 : index
        %get3A_937 = tpu.vector_load %arg16[%get3A_934, %get3A_935, %get3A_936] {strides = array<i32>} : memref<4x80x64xf32, #tpu.memory_space<vmem>>, vector<16xf32>,
        %mul3A_938 = vector.broadcast %squeeze3A_919 : f32 to vector<16xf32>
        %mul3A_939 = arith.mulf %get3A_937, %mul3A_938 : vector<16xf32>
        %swap3A_940 = arith.index_cast %rem3A_126 : i32 to index
        %swap3A_941 = arith.index_cast %add3A_923 : i32 to index
        %swap3A_942 = arith.constant 16 : index
        %swap3A_943 = tpu.vector_load %arg16[%swap3A_940, %swap3A_941, %swap3A_942] {strides = array<i32>} : memref<4x80x64xf32, #tpu.memory_space<vmem>>, vector<16xf32>,
        tpu.vector_store %arg16[%swap3A_940, %swap3A_941, %swap3A_942], %mul3A_939 {strides = array<i32>} : memref<4x80x64xf32, #tpu.memory_space<vmem>>, vector<16xf32>,
        %get3A_944 = arith.index_cast %rem3A_126 : i32 to index
        %get3A_945 = arith.index_cast %add3A_923 : i32 to index
        %get3A_946 = arith.constant 32 : index
        %get3A_947 = tpu.vector_load %arg16[%get3A_944, %get3A_945, %get3A_946] {strides = array<i32>} : memref<4x80x64xf32, #tpu.memory_space<vmem>>, vector<16xf32>,
        %mul3A_948 = vector.broadcast %squeeze3A_919 : f32 to vector<16xf32>
        %mul3A_949 = arith.mulf %get3A_947, %mul3A_948 : vector<16xf32>
        %swap3A_950 = arith.index_cast %rem3A_126 : i32 to index
        %swap3A_951 = arith.index_cast %add3A_923 : i32 to index
        %swap3A_952 = arith.constant 32 : index
        %swap3A_953 = tpu.vector_load %arg16[%swap3A_950, %swap3A_951, %swap3A_952] {strides = array<i32>} : memref<4x80x64xf32, #tpu.memory_space<vmem>>, vector<16xf32>,
        tpu.vector_store %arg16[%swap3A_950, %swap3A_951, %swap3A_952], %mul3A_949 {strides = array<i32>} : memref<4x80x64xf32, #tpu.memory_space<vmem>>, vector<16xf32>,
        %get3A_954 = arith.index_cast %rem3A_126 : i32 to index
        %get3A_955 = arith.index_cast %add3A_923 : i32 to index
        %get3A_956 = arith.constant 48 : index
        %get3A_957 = tpu.vector_load %arg16[%get3A_954, %get3A_955, %get3A_956] {strides = array<i32>} : memref<4x80x64xf32, #tpu.memory_space<vmem>>, vector<16xf32>,
        %mul3A_958 = vector.broadcast %squeeze3A_919 : f32 to vector<16xf32>
        %mul3A_959 = arith.mulf %get3A_957, %mul3A_958 : vector<16xf32>
        %swap3A_960 = arith.index_cast %rem3A_126 : i32 to index
        %swap3A_961 = arith.index_cast %add3A_923 : i32 to index
        %swap3A_962 = arith.constant 48 : index
        %swap3A_963 = tpu.vector_load %arg16[%swap3A_960, %swap3A_961, %swap3A_962] {strides = array<i32>} : memref<4x80x64xf32, #tpu.memory_space<vmem>>, vector<16xf32>,
        tpu.vector_store %arg16[%swap3A_960, %swap3A_961, %swap3A_962], %mul3A_959 {strides = array<i32>} : memref<4x80x64xf32, #tpu.memory_space<vmem>>, vector<16xf32>,
        %slice3A_964 = vector.extract_strided_slice %get3A_275 {offsets = [15], sizes = [1], strides = [1]} : vector<16xf32> to vector<1xf32>
        %squeeze3A_965 = vector.extract %slice3A_964[0] : f32 from vector<1xf32>
        %mul3A_966 = arith.constant 16 : i32
        %mul3A_967 = arith.muli %add3A_270, %mul3A_966 : i32
        %add3A_968 = arith.constant 15 : i32
        %add3A_969 = arith.addi %mul3A_967, %add3A_968 : i32
        %get3A_970 = arith.index_cast %rem3A_126 : i32 to index
        %get3A_971 = arith.index_cast %add3A_969 : i32 to index
        %get3A_972 = arith.constant 0 : index
        %get3A_973 = tpu.vector_load %arg16[%get3A_970, %get3A_971, %get3A_972] {strides = array<i32>} : memref<4x80x64xf32, #tpu.memory_space<vmem>>, vector<16xf32>,
        %mul3A_974 = vector.broadcast %squeeze3A_965 : f32 to vector<16xf32>
        %mul3A_975 = arith.mulf %get3A_973, %mul3A_974 : vector<16xf32>
        %swap3A_976 = arith.index_cast %rem3A_126 : i32 to index
        %swap3A_977 = arith.index_cast %add3A_969 : i32 to index
        %swap3A_978 = arith.constant 0 : index
        %swap3A_979 = tpu.vector_load %arg16[%swap3A_976, %swap3A_977, %swap3A_978] {strides = array<i32>} : memref<4x80x64xf32, #tpu.memory_space<vmem>>, vector<16xf32>,
        tpu.vector_store %arg16[%swap3A_976, %swap3A_977, %swap3A_978], %mul3A_975 {strides = array<i32>} : memref<4x80x64xf32, #tpu.memory_space<vmem>>, vector<16xf32>,
        %get3A_980 = arith.index_cast %rem3A_126 : i32 to index
        %get3A_981 = arith.index_cast %add3A_969 : i32 to index
        %get3A_982 = arith.constant 16 : index
        %get3A_983 = tpu.vector_load %arg16[%get3A_980, %get3A_981, %get3A_982] {strides = array<i32>} : memref<4x80x64xf32, #tpu.memory_space<vmem>>, vector<16xf32>,
        %mul3A_984 = vector.broadcast %squeeze3A_965 : f32 to vector<16xf32>
        %mul3A_985 = arith.mulf %get3A_983, %mul3A_984 : vector<16xf32>
        %swap3A_986 = arith.index_cast %rem3A_126 : i32 to index
        %swap3A_987 = arith.index_cast %add3A_969 : i32 to index
        %swap3A_988 = arith.constant 16 : index
        %swap3A_989 = tpu.vector_load %arg16[%swap3A_986, %swap3A_987, %swap3A_988] {strides = array<i32>} : memref<4x80x64xf32, #tpu.memory_space<vmem>>, vector<16xf32>,
        tpu.vector_store %arg16[%swap3A_986, %swap3A_987, %swap3A_988], %mul3A_985 {strides = array<i32>} : memref<4x80x64xf32, #tpu.memory_space<vmem>>, vector<16xf32>,
        %get3A_990 = arith.index_cast %rem3A_126 : i32 to index
        %get3A_991 = arith.index_cast %add3A_969 : i32 to index
        %get3A_992 = arith.constant 32 : index
        %get3A_993 = tpu.vector_load %arg16[%get3A_990, %get3A_991, %get3A_992] {strides = array<i32>} : memref<4x80x64xf32, #tpu.memory_space<vmem>>, vector<16xf32>,
        %mul3A_994 = vector.broadcast %squeeze3A_965 : f32 to vector<16xf32>
        %mul3A_995 = arith.mulf %get3A_993, %mul3A_994 : vector<16xf32>
        %swap3A_996 = arith.index_cast %rem3A_126 : i32 to index
        %swap3A_997 = arith.index_cast %add3A_969 : i32 to index
        %swap3A_998 = arith.constant 32 : index
        %swap3A_999 = tpu.vector_load %arg16[%swap3A_996, %swap3A_997, %swap3A_998] {strides = array<i32>} : memref<4x80x64xf32, #tpu.memory_space<vmem>>, vector<16xf32>,
        tpu.vector_store %arg16[%swap3A_996, %swap3A_997, %swap3A_998], %mul3A_995 {strides = array<i32>} : memref<4x80x64xf32, #tpu.memory_space<vmem>>, vector<16xf32>,
        %get3A_1000 = arith.index_cast %rem3A_126 : i32 to index
        %get3A_1001 = arith.index_cast %add3A_969 : i32 to index
        %get3A_1002 = arith.constant 48 : index
        %get3A_1003 = tpu.vector_load %arg16[%get3A_1000, %get3A_1001, %get3A_1002] {strides = array<i32>} : memref<4x80x64xf32, #tpu.memory_space<vmem>>, vector<16xf32>,
        %mul3A_1004 = vector.broadcast %squeeze3A_965 : f32 to vector<16xf32>
        %mul3A_1005 = arith.mulf %get3A_1003, %mul3A_1004 : vector<16xf32>
        %swap3A_1006 = arith.index_cast %rem3A_126 : i32 to index
        %swap3A_1007 = arith.index_cast %add3A_969 : i32 to index
        %swap3A_1008 = arith.constant 48 : index
        %swap3A_1009 = tpu.vector_load %arg16[%swap3A_1006, %swap3A_1007, %swap3A_1008] {strides = array<i32>} : memref<4x80x64xf32, #tpu.memory_space<vmem>>, vector<16xf32>,
        tpu.vector_store %arg16[%swap3A_1006, %swap3A_1007, %swap3A_1008], %mul3A_1005 {strides = array<i32>} : memref<4x80x64xf32, #tpu.memory_space<vmem>>, vector<16xf32>,
      }
      %scan3A_234 = arith.constant 5 : i32
      %dma_start3A_235 = arith.constant 0 : i32
      %dma_start3A_236 = arith.constant 0 : i32
      %dma_start3A_237 = tpu.memref_slice %arg16[%rem3A_126, %dma_start3A_235, %dma_start3A_236] : memref<4x80x64xf32, #tpu.memory_space<vmem>> -> memref<1x80x64xf32, #tpu.memory_space<vmem>>
      %dma_start3A_238 = tpu.memref_squeeze %dma_start3A_237 : memref<1x80x64xf32, #tpu.memory_space<vmem>> -> memref<80x64xf32, #tpu.memory_space<vmem>>
      %dma_start3A_239 = arith.constant 0 : i32
      %dma_start3A_240 = tpu.memref_slice %arg9[%add3A_124, %dma_start3A_239] : memref<250x80xi32, #tpu.memory_space<vmem>> -> memref<1x80xi32, #tpu.memory_space<vmem>>
      %dma_start3A_241 = tpu.memref_squeeze %dma_start3A_240 : memref<1x80xi32, #tpu.memory_space<vmem>> -> memref<80xi32, #tpu.memory_space<vmem>>
      %dma_start3A_242 = arith.constant 0 : i32
      %dma_start3A_243 = arith.constant 0 : i32
      %dma_start3A_244 = tpu.memref_slice %arg17[%dma_start3A_242, %dma_start3A_243] : memref<10240x64xf32, #tpu.memory_space<vmem_shared>> -> memref<10240x64xf32, #tpu.memory_space<vmem_shared>>
      %dma_start3A_245 = tpu.memref_slice %arg20[%rem3A_126] : memref<4x!tpu.dma_semaphore, #tpu.memory_space<semaphore_mem>> -> memref<1x!tpu.dma_semaphore, #tpu.memory_space<semaphore_mem>>
      %dma_start3A_246 = tpu.memref_squeeze %dma_start3A_245 : memref<1x!tpu.dma_semaphore, #tpu.memory_space<semaphore_mem>> -> memref<!tpu.dma_semaphore, #tpu.memory_space<semaphore_mem>>
      tpu.enqueue_indirect_dma source(%dma_start3A_238 : memref<80x64xf32, #tpu.memory_space<vmem>>) target(%dma_start3A_244 : memref<10240x64xf32, #tpu.memory_space<vmem_shared>>) offsets(%dma_start3A_241 : memref<80xi32, #tpu.memory_space<vmem>>) semaphore(%dma_start3A_246 : memref<!tpu.dma_semaphore, #tpu.memory_space<semaphore_mem>>) {add = true}
      %eq3A_247 = arith.cmpi eq, %rem3A_128, %arg0 : i32
      %convert_element_type3A_248 = arith.extui %eq3A_247 : i1 to i32
      %cond3A_249 = arith.constant 0 : i32
      %cond3A_250 = arith.cmpi ne, %convert_element_type3A_248, %cond3A_249 : i32
      scf.if %cond3A_250 {
        %dma_start3A_266 = arith.constant 0 : i32
        %dma_start3A_267 = tpu.memref_slice %arg13[%rem3A_128, %dma_start3A_266] : memref<2x80xf32, #tpu.memory_space<vmem>> -> memref<1x80xf32, #tpu.memory_space<vmem>>
        %dma_start3A_268 = tpu.memref_squeeze %dma_start3A_267 : memref<1x80xf32, #tpu.memory_space<vmem>> -> memref<80xf32, #tpu.memory_space<vmem>>
        %dma_start3A_269 = arith.constant 0 : i32
        %dma_start3A_270 = tpu.memref_slice %arg9[%add3A_124, %dma_start3A_269] : memref<250x80xi32, #tpu.memory_space<vmem>> -> memref<1x80xi32, #tpu.memory_space<vmem>>
        %dma_start3A_271 = tpu.memref_squeeze %dma_start3A_270 : memref<1x80xi32, #tpu.memory_space<vmem>> -> memref<80xi32, #tpu.memory_space<vmem>>
        %dma_start3A_272 = arith.constant 0 : i32
        %dma_start3A_273 = tpu.memref_slice %arg18[%dma_start3A_272] : memref<10240xf32, #tpu.memory_space<vmem_shared>> -> memref<10240xf32, #tpu.memory_space<vmem_shared>>
        %dma_start3A_274 = tpu.memref_slice %arg21[%rem3A_128] : memref<2x!tpu.dma_semaphore, #tpu.memory_space<semaphore_mem>> -> memref<1x!tpu.dma_semaphore, #tpu.memory_space<semaphore_mem>>
        %dma_start3A_275 = tpu.memref_squeeze %dma_start3A_274 : memref<1x!tpu.dma_semaphore, #tpu.memory_space<semaphore_mem>> -> memref<!tpu.dma_semaphore, #tpu.memory_space<semaphore_mem>>
        tpu.enqueue_indirect_dma source(%dma_start3A_268 : memref<80xf32, #tpu.memory_space<vmem>>) target(%dma_start3A_273 : memref<10240xf32, #tpu.memory_space<vmem_shared>>) offsets(%dma_start3A_271 : memref<80xi32, #tpu.memory_space<vmem>>) semaphore(%dma_start3A_275 : memref<!tpu.dma_semaphore, #tpu.memory_space<semaphore_mem>>) {add = true}
      } else {
      }
      %add3A_251 = arith.constant 2 : i32
      %add3A_252 = arith.addi %add3A_124, %add3A_251 : i32
      %rem3A_253 = arith.constant 4 : i32
      %rem3A_254 = arith.remsi %add3A_252, %rem3A_253 : i32
      %ge3A_255 = arith.constant 2 : i32
      %ge3A_256 = arith.cmpi sge, %add3A_124, %ge3A_255 : i32
      %convert_element_type3A_257 = arith.extui %ge3A_256 : i1 to i32
      %cond3A_258 = arith.constant 0 : i32
      %cond3A_259 = arith.cmpi ne, %convert_element_type3A_257, %cond3A_258 : i32
      scf.if %cond3A_259 {
        %sub3A = arith.constant 2 : i32
        %sub3A_266 = arith.subi %add3A_124, %sub3A : i32
        %dma_wait3A_267 = arith.constant 0 : i32
        %dma_wait3A_268 = arith.constant 0 : i32
        %dma_wait3A_269 = tpu.memref_slice %arg16[%rem3A_254, %dma_wait3A_267, %dma_wait3A_268] : memref<4x80x64xf32, #tpu.memory_space<vmem>> -> memref<1x80x64xf32, #tpu.memory_space<vmem>>
        %dma_wait3A_270 = tpu.memref_squeeze %dma_wait3A_269 : memref<1x80x64xf32, #tpu.memory_space<vmem>> -> memref<80x64xf32, #tpu.memory_space<vmem>>
        %dma_wait3A_271 = arith.constant 0 : i32
        %dma_wait3A_272 = tpu.memref_slice %arg9[%sub3A_266, %dma_wait3A_271] : memref<250x80xi32, #tpu.memory_space<vmem>> -> memref<1x80xi32, #tpu.memory_space<vmem>>
        %dma_wait3A_273 = tpu.memref_squeeze %dma_wait3A_272 : memref<1x80xi32, #tpu.memory_space<vmem>> -> memref<80xi32, #tpu.memory_space<vmem>>
        %dma_wait3A_274 = arith.constant 0 : i32
        %dma_wait3A_275 = arith.constant 0 : i32
        %dma_wait3A_276 = tpu.memref_slice %arg17[%dma_wait3A_274, %dma_wait3A_275] : memref<10240x64xf32, #tpu.memory_space<vmem_shared>> -> memref<10240x64xf32, #tpu.memory_space<vmem_shared>>
        %dma_wait3A_277 = tpu.memref_slice %arg20[%rem3A_254] : memref<4x!tpu.dma_semaphore, #tpu.memory_space<semaphore_mem>> -> memref<1x!tpu.dma_semaphore, #tpu.memory_space<semaphore_mem>>
        %dma_wait3A_278 = tpu.memref_squeeze %dma_wait3A_277 : memref<1x!tpu.dma_semaphore, #tpu.memory_space<semaphore_mem>> -> memref<!tpu.dma_semaphore, #tpu.memory_space<semaphore_mem>>
        tpu.wait_indirect_dma semaphore(%dma_wait3A_278 : memref<!tpu.dma_semaphore, #tpu.memory_space<semaphore_mem>>) src(%dma_wait3A_270 : memref<80x64xf32, #tpu.memory_space<vmem>>) dst(%dma_wait3A_276 : memref<10240x64xf32, #tpu.memory_space<vmem_shared>>)
      } else {
      }
      %add3A_260 = arith.constant 2 : i32
      %add3A_261 = arith.addi %add3A_124, %add3A_260 : i32
      %lt3A = arith.constant 250 : i32
      %lt3A_262 = arith.cmpi slt, %add3A_261, %lt3A : i32
      %convert_element_type3A_263 = arith.extui %lt3A_262 : i1 to i32
      %cond3A_264 = arith.constant 0 : i32
      %cond3A_265 = arith.cmpi ne, %convert_element_type3A_263, %cond3A_264 : i32
      scf.if %cond3A_265 {
        %add3A_266 = arith.constant 2 : i32
        %add3A_267 = arith.addi %add3A_124, %add3A_266 : i32
        %dma_start3A_268 = arith.constant 0 : i32
        %dma_start3A_269 = arith.constant 0 : i32
        %dma_start3A_270 = tpu.memref_slice %arg16[%rem3A_254, %dma_start3A_268, %dma_start3A_269] : memref<4x80x64xf32, #tpu.memory_space<vmem>> -> memref<1x80x64xf32, #tpu.memory_space<vmem>>
        %dma_start3A_271 = tpu.memref_squeeze %dma_start3A_270 : memref<1x80x64xf32, #tpu.memory_space<vmem>> -> memref<80x64xf32, #tpu.memory_space<vmem>>
        %dma_start3A_272 = arith.constant 0 : i32
        %dma_start3A_273 = tpu.memref_slice %arg10[%add3A_267, %dma_start3A_272] : memref<250x80xi32, #tpu.memory_space<vmem>> -> memref<1x80xi32, #tpu.memory_space<vmem>>
        %dma_start3A_274 = tpu.memref_squeeze %dma_start3A_273 : memref<1x80xi32, #tpu.memory_space<vmem>> -> memref<80xi32, #tpu.memory_space<vmem>>
        %dma_start3A_275 = arith.constant 0 : i32
        %dma_start3A_276 = arith.constant 0 : i32
        %dma_start3A_277 = tpu.memref_slice %arg6[%arg0, %dma_start3A_275, %dma_start3A_276] : memref<2x10000x64xf32, #tpu.memory_space<hbm>> -> memref<1x10000x64xf32, #tpu.memory_space<hbm>>
        %dma_start3A_278 = tpu.memref_squeeze %dma_start3A_277 : memref<1x10000x64xf32, #tpu.memory_space<hbm>> -> memref<10000x64xf32, #tpu.memory_space<hbm>>
        %dma_start3A_279 = arith.constant 0 : i32
        %dma_start3A_280 = arith.constant 0 : i32
        %dma_start3A_281 = tpu.memref_slice %dma_start3A_278[%dma_start3A_279, %dma_start3A_280] : memref<10000x64xf32, #tpu.memory_space<hbm>> -> memref<10000x64xf32, #tpu.memory_space<hbm>>
        %dma_start3A_282 = tpu.memref_slice %arg19[%rem3A_254] : memref<4x!tpu.dma_semaphore, #tpu.memory_space<semaphore_mem>> -> memref<1x!tpu.dma_semaphore, #tpu.memory_space<semaphore_mem>>
        %dma_start3A_283 = tpu.memref_squeeze %dma_start3A_282 : memref<1x!tpu.dma_semaphore, #tpu.memory_space<semaphore_mem>> -> memref<!tpu.dma_semaphore, #tpu.memory_space<semaphore_mem>>
        tpu.enqueue_indirect_dma source(%dma_start3A_281 : memref<10000x64xf32, #tpu.memory_space<hbm>>) target(%dma_start3A_271 : memref<80x64xf32, #tpu.memory_space<vmem>>) offsets(%dma_start3A_274 : memref<80xi32, #tpu.memory_space<vmem>>) semaphore(%dma_start3A_283 : memref<!tpu.dma_semaphore, #tpu.memory_space<semaphore_mem>>)
      } else {
      }
    }
    %scan3A_70 = arith.constant 250 : i32
    %rem3A = arith.constant 248 : i32
    %rem3A_71 = arith.constant 4 : i32
    %rem3A_72 = arith.remsi %rem3A, %rem3A_71 : i32
    %dma_wait3A = arith.constant 248 : i32
    %dma_wait3A_73 = arith.constant 0 : i32
    %dma_wait3A_74 = arith.constant 0 : i32
    %dma_wait3A_75 = tpu.memref_slice %arg16[%rem3A_72, %dma_wait3A_73, %dma_wait3A_74] : memref<4x80x64xf32, #tpu.memory_space<vmem>> -> memref<1x80x64xf32, #tpu.memory_space<vmem>>
    %dma_wait3A_76 = tpu.memref_squeeze %dma_wait3A_75 : memref<1x80x64xf32, #tpu.memory_space<vmem>> -> memref<80x64xf32, #tpu.memory_space<vmem>>
    %dma_wait3A_77 = arith.constant 0 : i32
    %dma_wait3A_78 = tpu.memref_slice %arg9[%dma_wait3A, %dma_wait3A_77] : memref<250x80xi32, #tpu.memory_space<vmem>> -> memref<1x80xi32, #tpu.memory_space<vmem>>
    %dma_wait3A_79 = tpu.memref_squeeze %dma_wait3A_78 : memref<1x80xi32, #tpu.memory_space<vmem>> -> memref<80xi32, #tpu.memory_space<vmem>>
    %dma_wait3A_80 = arith.constant 0 : i32
    %dma_wait3A_81 = arith.constant 0 : i32
    %dma_wait3A_82 = tpu.memref_slice %arg17[%dma_wait3A_80, %dma_wait3A_81] : memref<10240x64xf32, #tpu.memory_space<vmem_shared>> -> memref<10240x64xf32, #tpu.memory_space<vmem_shared>>
    %dma_wait3A_83 = tpu.memref_slice %arg20[%rem3A_72] : memref<4x!tpu.dma_semaphore, #tpu.memory_space<semaphore_mem>> -> memref<1x!tpu.dma_semaphore, #tpu.memory_space<semaphore_mem>>
    %dma_wait3A_84 = tpu.memref_squeeze %dma_wait3A_83 : memref<1x!tpu.dma_semaphore, #tpu.memory_space<semaphore_mem>> -> memref<!tpu.dma_semaphore, #tpu.memory_space<semaphore_mem>>
    tpu.wait_indirect_dma semaphore(%dma_wait3A_84 : memref<!tpu.dma_semaphore, #tpu.memory_space<semaphore_mem>>) src(%dma_wait3A_76 : memref<80x64xf32, #tpu.memory_space<vmem>>) dst(%dma_wait3A_82 : memref<10240x64xf32, #tpu.memory_space<vmem_shared>>)
    %rem3A_85 = arith.constant 249 : i32
    %rem3A_86 = arith.constant 4 : i32
    %rem3A_87 = arith.remsi %rem3A_85, %rem3A_86 : i32
    %dma_wait3A_88 = arith.constant 249 : i32
    %dma_wait3A_89 = arith.constant 0 : i32
    %dma_wait3A_90 = arith.constant 0 : i32
    %dma_wait3A_91 = tpu.memref_slice %arg16[%rem3A_87, %dma_wait3A_89, %dma_wait3A_90] : memref<4x80x64xf32, #tpu.memory_space<vmem>> -> memref<1x80x64xf32, #tpu.memory_space<vmem>>
    %dma_wait3A_92 = tpu.memref_squeeze %dma_wait3A_91 : memref<1x80x64xf32, #tpu.memory_space<vmem>> -> memref<80x64xf32, #tpu.memory_space<vmem>>
    %dma_wait3A_93 = arith.constant 0 : i32
    %dma_wait3A_94 = tpu.memref_slice %arg9[%dma_wait3A_88, %dma_wait3A_93] : memref<250x80xi32, #tpu.memory_space<vmem>> -> memref<1x80xi32, #tpu.memory_space<vmem>>
    %dma_wait3A_95 = tpu.memref_squeeze %dma_wait3A_94 : memref<1x80xi32, #tpu.memory_space<vmem>> -> memref<80xi32, #tpu.memory_space<vmem>>
    %dma_wait3A_96 = arith.constant 0 : i32
    %dma_wait3A_97 = arith.constant 0 : i32
    %dma_wait3A_98 = tpu.memref_slice %arg17[%dma_wait3A_96, %dma_wait3A_97] : memref<10240x64xf32, #tpu.memory_space<vmem_shared>> -> memref<10240x64xf32, #tpu.memory_space<vmem_shared>>
    %dma_wait3A_99 = tpu.memref_slice %arg20[%rem3A_87] : memref<4x!tpu.dma_semaphore, #tpu.memory_space<semaphore_mem>> -> memref<1x!tpu.dma_semaphore, #tpu.memory_space<semaphore_mem>>
    %dma_wait3A_100 = tpu.memref_squeeze %dma_wait3A_99 : memref<1x!tpu.dma_semaphore, #tpu.memory_space<semaphore_mem>> -> memref<!tpu.dma_semaphore, #tpu.memory_space<semaphore_mem>>
    tpu.wait_indirect_dma semaphore(%dma_wait3A_100 : memref<!tpu.dma_semaphore, #tpu.memory_space<semaphore_mem>>) src(%dma_wait3A_92 : memref<80x64xf32, #tpu.memory_space<vmem>>) dst(%dma_wait3A_98 : memref<10240x64xf32, #tpu.memory_space<vmem_shared>>)
    %eq3A = arith.constant 0 : i32
    %eq3A_101 = arith.cmpi eq, %arg0, %eq3A : i32
    %convert_element_type3A = arith.extui %eq3A_101 : i1 to i32
    %cond3A = arith.constant 0 : i32
    %cond3A_102 = arith.cmpi ne, %convert_element_type3A, %cond3A : i32
    scf.if %cond3A_102 {
      %dma_wait3A_120 = arith.constant 0 : i32
      %dma_wait3A_121 = arith.constant 248 : i32
      %dma_wait3A_122 = arith.constant 0 : i32
      %dma_wait3A_123 = arith.constant 0 : i32
      %dma_wait3A_124 = tpu.memref_slice %arg13[%dma_wait3A_120, %dma_wait3A_123] : memref<2x80xf32, #tpu.memory_space<vmem>> -> memref<1x80xf32, #tpu.memory_space<vmem>>
      %dma_wait3A_125 = tpu.memref_squeeze %dma_wait3A_124 : memref<1x80xf32, #tpu.memory_space<vmem>> -> memref<80xf32, #tpu.memory_space<vmem>>
      %dma_wait3A_126 = arith.constant 0 : i32
      %dma_wait3A_127 = tpu.memref_slice %arg9[%dma_wait3A_121, %dma_wait3A_126] : memref<250x80xi32, #tpu.memory_space<vmem>> -> memref<1x80xi32, #tpu.memory_space<vmem>>
      %dma_wait3A_128 = tpu.memref_squeeze %dma_wait3A_127 : memref<1x80xi32, #tpu.memory_space<vmem>> -> memref<80xi32, #tpu.memory_space<vmem>>
      %dma_wait3A_129 = arith.constant 0 : i32
      %dma_wait3A_130 = tpu.memref_slice %arg18[%dma_wait3A_129] : memref<10240xf32, #tpu.memory_space<vmem_shared>> -> memref<10240xf32, #tpu.memory_space<vmem_shared>>
      %dma_wait3A_131 = tpu.memref_slice %arg21[%dma_wait3A_122] : memref<2x!tpu.dma_semaphore, #tpu.memory_space<semaphore_mem>> -> memref<1x!tpu.dma_semaphore, #tpu.memory_space<semaphore_mem>>
      %dma_wait3A_132 = tpu.memref_squeeze %dma_wait3A_131 : memref<1x!tpu.dma_semaphore, #tpu.memory_space<semaphore_mem>> -> memref<!tpu.dma_semaphore, #tpu.memory_space<semaphore_mem>>
      tpu.wait_indirect_dma semaphore(%dma_wait3A_132 : memref<!tpu.dma_semaphore, #tpu.memory_space<semaphore_mem>>) src(%dma_wait3A_125 : memref<80xf32, #tpu.memory_space<vmem>>) dst(%dma_wait3A_130 : memref<10240xf32, #tpu.memory_space<vmem_shared>>)
    } else {
    }
    %eq3A_103 = arith.constant 1 : i32
    %eq3A_104 = arith.cmpi eq, %arg0, %eq3A_103 : i32
    %convert_element_type3A_105 = arith.extui %eq3A_104 : i1 to i32
    %cond3A_106 = arith.constant 0 : i32
    %cond3A_107 = arith.cmpi ne, %convert_element_type3A_105, %cond3A_106 : i32
    scf.if %cond3A_107 {
      %dma_wait3A_120 = arith.constant 1 : i32
      %dma_wait3A_121 = arith.constant 249 : i32
      %dma_wait3A_122 = arith.constant 1 : i32
      %dma_wait3A_123 = arith.constant 0 : i32
      %dma_wait3A_124 = tpu.memref_slice %arg13[%dma_wait3A_120, %dma_wait3A_123] : memref<2x80xf32, #tpu.memory_space<vmem>> -> memref<1x80xf32, #tpu.memory_space<vmem>>
      %dma_wait3A_125 = tpu.memref_squeeze %dma_wait3A_124 : memref<1x80xf32, #tpu.memory_space<vmem>> -> memref<80xf32, #tpu.memory_space<vmem>>
      %dma_wait3A_126 = arith.constant 0 : i32
      %dma_wait3A_127 = tpu.memref_slice %arg9[%dma_wait3A_121, %dma_wait3A_126] : memref<250x80xi32, #tpu.memory_space<vmem>> -> memref<1x80xi32, #tpu.memory_space<vmem>>
      %dma_wait3A_128 = tpu.memref_squeeze %dma_wait3A_127 : memref<1x80xi32, #tpu.memory_space<vmem>> -> memref<80xi32, #tpu.memory_space<vmem>>
      %dma_wait3A_129 = arith.constant 0 : i32
      %dma_wait3A_130 = tpu.memref_slice %arg18[%dma_wait3A_129] : memref<10240xf32, #tpu.memory_space<vmem_shared>> -> memref<10240xf32, #tpu.memory_space<vmem_shared>>
      %dma_wait3A_131 = tpu.memref_slice %arg21[%dma_wait3A_122] : memref<2x!tpu.dma_semaphore, #tpu.memory_space<semaphore_mem>> -> memref<1x!tpu.dma_semaphore, #tpu.memory_space<semaphore_mem>>
      %dma_wait3A_132 = tpu.memref_squeeze %dma_wait3A_131 : memref<1x!tpu.dma_semaphore, #tpu.memory_space<semaphore_mem>> -> memref<!tpu.dma_semaphore, #tpu.memory_space<semaphore_mem>>
      tpu.wait_indirect_dma semaphore(%dma_wait3A_132 : memref<!tpu.dma_semaphore, #tpu.memory_space<semaphore_mem>>) src(%dma_wait3A_125 : memref<80xf32, #tpu.memory_space<vmem>>) dst(%dma_wait3A_130 : memref<10240xf32, #tpu.memory_space<vmem_shared>>)
    } else {
    }
    %barrier3A_108 = arith.constant 0 : index
    tpu.barrier barrier_id(%barrier3A_108)
    %mul3A_109 = arith.constant 640 : i32
    %mul3A_110 = arith.muli %arg1, %mul3A_109 : i32
    %mul3A_111 = arith.constant 10240 : i32
    %mul3A_112 = arith.muli %arg0, %mul3A_111 : i32
    %mul3A_113 = arith.constant 640 : i32
    %mul3A_114 = arith.muli %arg1, %mul3A_113 : i32
    %add3A_115 = arith.addi %mul3A_112, %mul3A_114 : i32
    "tpu.region"() ({
      %run_scoped3A = tpu.sem_alloc : memref<!tpu.dma_semaphore, #tpu.memory_space<semaphore_mem>>
      %dma_start3A_120 = arith.constant 0 : i32
      %dma_start3A_121 = tpu.memref_slice %arg7[%add3A_115, %dma_start3A_120] : memref<20480x64xf32, #tpu.memory_space<hbm>> -> memref<640x64xf32, #tpu.memory_space<hbm>>
      %dma_start3A_122 = arith.constant 0 : i32
      %dma_start3A_123 = tpu.memref_slice %arg17[%mul3A_110, %dma_start3A_122] : memref<10240x64xf32, #tpu.memory_space<vmem_shared>> -> memref<640x64xf32, #tpu.memory_space<vmem_shared>>
      tpu.enqueue_dma source(%dma_start3A_123 : memref<640x64xf32, #tpu.memory_space<vmem_shared>>) target(%dma_start3A_121 : memref<640x64xf32, #tpu.memory_space<hbm>>) target_semaphore(%run_scoped3A : memref<!tpu.dma_semaphore, #tpu.memory_space<semaphore_mem>>)
      %dma_wait3A_124 = arith.constant 0 : i32
      %dma_wait3A_125 = tpu.memref_slice %arg7[%add3A_115, %dma_wait3A_124] : memref<20480x64xf32, #tpu.memory_space<hbm>> -> memref<640x64xf32, #tpu.memory_space<hbm>>
      %dma_wait3A_126 = arith.constant 0 : i32
      %dma_wait3A_127 = tpu.memref_slice %arg17[%mul3A_110, %dma_wait3A_126] : memref<10240x64xf32, #tpu.memory_space<vmem_shared>> -> memref<640x64xf32, #tpu.memory_space<vmem_shared>>
      tpu.wait_dma2 semaphore(%run_scoped3A : memref<!tpu.dma_semaphore, #tpu.memory_space<semaphore_mem>>) src(%dma_wait3A_127 : memref<640x64xf32, #tpu.memory_space<vmem_shared>>) dst(%dma_wait3A_125 : memref<640x64xf32, #tpu.memory_space<hbm>>)
      tpu.yield
    }) : () -> ()
    %mul3A_116 = arith.constant 640 : i32
    %mul3A_117 = arith.muli %arg1, %mul3A_116 : i32
    %mul3A_118 = arith.constant 640 : i32
    %mul3A_119 = arith.muli %arg1, %mul3A_118 : i32
    "tpu.region"() ({
      %run_scoped3A = tpu.sem_alloc : memref<!tpu.dma_semaphore, #tpu.memory_space<semaphore_mem>>
      %dma_start3A_120 = arith.constant 0 : i32
      %dma_start3A_121 = tpu.memref_slice %arg8[%arg0, %dma_start3A_120] : memref<2x10240xf32, #tpu.memory_space<hbm>> -> memref<1x10240xf32, #tpu.memory_space<hbm>>
      %dma_start3A_122 = tpu.memref_squeeze %dma_start3A_121 : memref<1x10240xf32, #tpu.memory_space<hbm>> -> memref<10240xf32, #tpu.memory_space<hbm>>
      %dma_start3A_123 = tpu.memref_slice %dma_start3A_122[%mul3A_119] : memref<10240xf32, #tpu.memory_space<hbm>> -> memref<640xf32, #tpu.memory_space<hbm>>
      %dma_start3A_124 = tpu.memref_slice %arg18[%mul3A_117] : memref<10240xf32, #tpu.memory_space<vmem_shared>> -> memref<640xf32, #tpu.memory_space<vmem_shared>>
      tpu.enqueue_dma source(%dma_start3A_124 : memref<640xf32, #tpu.memory_space<vmem_shared>>) target(%dma_start3A_123 : memref<640xf32, #tpu.memory_space<hbm>>) target_semaphore(%run_scoped3A : memref<!tpu.dma_semaphore, #tpu.memory_space<semaphore_mem>>)
      %dma_wait3A_125 = arith.constant 0 : i32
      %dma_wait3A_126 = tpu.memref_slice %arg8[%arg0, %dma_wait3A_125] : memref<2x10240xf32, #tpu.memory_space<hbm>> -> memref<1x10240xf32, #tpu.memory_space<hbm>>
      %dma_wait3A_127 = tpu.memref_squeeze %dma_wait3A_126 : memref<1x10240xf32, #tpu.memory_space<hbm>> -> memref<10240xf32, #tpu.memory_space<hbm>>
      %dma_wait3A_128 = tpu.memref_slice %dma_wait3A_127[%mul3A_119] : memref<10240xf32, #tpu.memory_space<hbm>> -> memref<640xf32, #tpu.memory_space<hbm>>
      %dma_wait3A_129 = tpu.memref_slice %arg18[%mul3A_117] : memref<10240xf32, #tpu.memory_space<vmem_shared>> -> memref<640xf32, #tpu.memory_space<vmem_shared>>
      tpu.wait_dma2 semaphore(%run_scoped3A : memref<!tpu.dma_semaphore, #tpu.memory_space<semaphore_mem>>) src(%dma_wait3A_129 : memref<640xf32, #tpu.memory_space<vmem_shared>>) dst(%dma_wait3A_128 : memref<640xf32, #tpu.memory_space<hbm>>)
      tpu.yield
    }) : () -> ()
    return
  }
}

module attributes {stable_mosaic.version = 14 : i64} {
  func.func @_prep_body(%arg0: i32, %arg1: memref<1000x128xf32, #tpu.memory_space<vmem>>, %arg2: memref<128x128xf32, #tpu.memory_space<vmem>>, %arg3: memref<128x1xf32, #tpu.memory_space<vmem>>, %arg4: memref<128x1xf32, #tpu.memory_space<vmem>>, %arg5: memref<2x1000x64xf32, #tpu.memory_space<vmem>>, %arg6: memref<1000x1xf32, #tpu.memory_space<vmem>>, %arg7: memref<1000x1xf32, #tpu.memory_space<vmem>>) attributes {dimension_semantics = [#tpu.dimension_semantics<arbitrary>], iteration_bounds = array<i64: 10>, scalar_prefetch = 0 : i64, scratch_operands = 0 : i64, tpu.core_type = #tpu.core_type<tc>, window_params = [{transform_indices = @transform_0, window_bounds = array<i64: 1000, 128>}, {pipeline_mode = #tpu.pipeline_mode<synchronous>, transform_indices = @transform_1, window_bounds = array<i64: 128, 128>}, {pipeline_mode = #tpu.pipeline_mode<synchronous>, transform_indices = @transform_2, window_bounds = array<i64: 128, 1>}, {pipeline_mode = #tpu.pipeline_mode<synchronous>, transform_indices = @transform_3, window_bounds = array<i64: 128, 1>}, {transform_indices = @transform_4, window_bounds = array<i64: 2, 1000, 64>}, {transform_indices = @transform_5, window_bounds = array<i64: 1000, 1>}, {transform_indices = @transform_6, window_bounds = array<i64: 1000, 1>}]} {
    %get3A = arith.constant 0 : index
    %get3A_0 = arith.constant 0 : index
    %get3A_1 = vector.load %arg1[%get3A, %get3A_0] : memref<1000x128xf32, #tpu.memory_space<vmem>>, vector<1000x128xf32>
    %get3A_2 = arith.constant 0 : index
    %get3A_3 = arith.constant 0 : index
    %get3A_4 = vector.load %arg2[%get3A_2, %get3A_3] : memref<128x128xf32, #tpu.memory_space<vmem>>, vector<128x128xf32>
    %dot_general3A = arith.constant dense<0.000000e+00> : vector<1000x128xf32>
    %dot_general3A_5 = tpu.matmul %get3A_1, %get3A_4, %dot_general3A {dimension_numbers = #tpu.dot_dimension_numbers<[1], [0], [0], [1], [0, 0, 1, 1], [], []>, transpose_lhs_hint = false} : vector<1000x128xf32>, vector<128x128xf32>, vector<1000x128xf32> -> vector<1000x128xf32>
    %slice3A = vector.extract_strided_slice %dot_general3A_5 {offsets = [0, 0], sizes = [1000, 64], strides = [1, 1]} : vector<1000x128xf32> to vector<1000x64xf32>
    %swap3A = arith.constant 0 : index
    %swap3A_6 = arith.constant 0 : index
    %swap3A_7 = arith.constant 0 : index
    %swap3A_8 = vector.load %arg5[%swap3A, %swap3A_6, %swap3A_7] : memref<2x1000x64xf32, #tpu.memory_space<vmem>>, vector<1x1000x64xf32>
    %swap3A_9 = vector.shape_cast %swap3A_8 : vector<1x1000x64xf32> to vector<1000x64xf32>
    %swap3A_10 = vector.shape_cast %slice3A : vector<1000x64xf32> to vector<1x1000x64xf32>
    tpu.vector_store %arg5[%swap3A, %swap3A_6, %swap3A_7], %swap3A_10 {strides = array<i32>} : memref<2x1000x64xf32, #tpu.memory_space<vmem>>, vector<1x1000x64xf32>,
    %slice3A_11 = vector.extract_strided_slice %dot_general3A_5 {offsets = [0, 64], sizes = [1000, 64], strides = [1, 1]} : vector<1000x128xf32> to vector<1000x64xf32>
    %swap3A_12 = arith.constant 1 : index
    %swap3A_13 = arith.constant 0 : index
    %swap3A_14 = arith.constant 0 : index
    %swap3A_15 = vector.load %arg5[%swap3A_12, %swap3A_13, %swap3A_14] : memref<2x1000x64xf32, #tpu.memory_space<vmem>>, vector<1x1000x64xf32>
    %swap3A_16 = vector.shape_cast %swap3A_15 : vector<1x1000x64xf32> to vector<1000x64xf32>
    %swap3A_17 = vector.shape_cast %slice3A_11 : vector<1000x64xf32> to vector<1x1000x64xf32>
    tpu.vector_store %arg5[%swap3A_12, %swap3A_13, %swap3A_14], %swap3A_17 {strides = array<i32>} : memref<2x1000x64xf32, #tpu.memory_space<vmem>>, vector<1x1000x64xf32>,
    %get3A_18 = arith.constant 0 : index
    %get3A_19 = arith.constant 0 : index
    %get3A_20 = vector.load %arg3[%get3A_18, %get3A_19] : memref<128x1xf32, #tpu.memory_space<vmem>>, vector<128x1xf32>
    %dot_general3A_21 = arith.constant dense<0.000000e+00> : vector<1000x1xf32>
    %dot_general3A_22 = tpu.matmul %dot_general3A_5, %get3A_20, %dot_general3A_21 {dimension_numbers = #tpu.dot_dimension_numbers<[1], [0], [0], [1], [0, 0, 1, 1], [], []>, transpose_lhs_hint = false} : vector<1000x128xf32>, vector<128x1xf32>, vector<1000x1xf32> -> vector<1000x1xf32>
    %swap3A_23 = arith.constant 0 : index
    %swap3A_24 = arith.constant 0 : index
    %swap3A_25 = vector.load %arg6[%swap3A_23, %swap3A_24] : memref<1000x1xf32, #tpu.memory_space<vmem>>, vector<1000x1xf32>
    tpu.vector_store %arg6[%swap3A_23, %swap3A_24], %dot_general3A_22 {strides = array<i32>} : memref<1000x1xf32, #tpu.memory_space<vmem>>, vector<1000x1xf32>,
    %get3A_26 = arith.constant 0 : index
    %get3A_27 = arith.constant 0 : index
    %get3A_28 = vector.load %arg4[%get3A_26, %get3A_27] : memref<128x1xf32, #tpu.memory_space<vmem>>, vector<128x1xf32>
    %dot_general3A_29 = arith.constant dense<0.000000e+00> : vector<1000x1xf32>
    %dot_general3A_30 = tpu.matmul %dot_general3A_5, %get3A_28, %dot_general3A_29 {dimension_numbers = #tpu.dot_dimension_numbers<[1], [0], [0], [1], [0, 0, 1, 1], [], []>, transpose_lhs_hint = false} : vector<1000x128xf32>, vector<128x1xf32>, vector<1000x1xf32> -> vector<1000x1xf32>
    %swap3A_31 = arith.constant 0 : index
    %swap3A_32 = arith.constant 0 : index
    %swap3A_33 = vector.load %arg7[%swap3A_31, %swap3A_32] : memref<1000x1xf32, #tpu.memory_space<vmem>>, vector<1000x1xf32>
    tpu.vector_store %arg7[%swap3A_31, %swap3A_32], %dot_general3A_30 {strides = array<i32>} : memref<1000x1xf32, #tpu.memory_space<vmem>>, vector<1000x1xf32>,
    return
  }
  func.func @transform_0(%arg0: i32) -> (i32, i32) {
    %c0_i32 = arith.constant 0 : i32
    %c0_i32_0 = arith.constant 0 : i32
    return %arg0, %c0_i32 : i32, i32
  }
  func.func @transform_1(%arg0: i32) -> (i32, i32) {
    %c0_i32 = arith.constant 0 : i32
    %c0_i32_0 = arith.constant 0 : i32
    %c0_i32_1 = arith.constant 0 : i32
    return %c0_i32, %c0_i32_0 : i32, i32
  }
  func.func @transform_2(%arg0: i32) -> (i32, i32) {
    %c0_i32 = arith.constant 0 : i32
    %c0_i32_0 = arith.constant 0 : i32
    %c0_i32_1 = arith.constant 0 : i32
    return %c0_i32, %c0_i32_0 : i32, i32
  }
  func.func @transform_3(%arg0: i32) -> (i32, i32) {
    %c0_i32 = arith.constant 0 : i32
    %c0_i32_0 = arith.constant 0 : i32
    %c0_i32_1 = arith.constant 0 : i32
    return %c0_i32, %c0_i32_0 : i32, i32
  }
  func.func @transform_4(%arg0: i32) -> (i32, i32, i32) {
    %c0_i32 = arith.constant 0 : i32
    %c0_i32_0 = arith.constant 0 : i32
    %c0_i32_1 = arith.constant 0 : i32
    return %c0_i32, %arg0, %c0_i32_0 : i32, i32, i32
  }
  func.func @transform_5(%arg0: i32) -> (i32, i32) {
    %c0_i32 = arith.constant 0 : i32
    %c0_i32_0 = arith.constant 0 : i32
    return %arg0, %c0_i32 : i32, i32
  }
  func.func @transform_6(%arg0: i32) -> (i32, i32) {
    %c0_i32 = arith.constant 0 : i32
    %c0_i32_0 = arith.constant 0 : i32
    return %arg0, %c0_i32 : i32, i32
  }
}

module attributes {stable_mosaic.version = 14 : i64} {
  func.func @_finish_body(%arg0: i32, %arg1: memref<640x64xf32, #tpu.memory_space<vmem>>, %arg2: memref<640x64xf32, #tpu.memory_space<vmem>>, %arg3: memref<640x1xf32, #tpu.memory_space<vmem>>, %arg4: memref<640x1xf32, #tpu.memory_space<vmem>>, %arg5: memref<640x128xf32, #tpu.memory_space<vmem>>) attributes {dimension_semantics = [#tpu.dimension_semantics<arbitrary>], iteration_bounds = array<i64: 16>, scalar_prefetch = 0 : i64, scratch_operands = 0 : i64, tpu.core_type = #tpu.core_type<tc>, window_params = [{transform_indices = @transform_0, window_bounds = array<i64: 640, 64>}, {transform_indices = @transform_1, window_bounds = array<i64: 640, 64>}, {transform_indices = @transform_2, window_bounds = array<i64: 640, 1>}, {transform_indices = @transform_3, window_bounds = array<i64: 640, 1>}, {transform_indices = @transform_4, window_bounds = array<i64: 640, 128>}]} {
    %get3A = arith.constant 0 : index
    %get3A_0 = arith.constant 0 : index
    %get3A_1 = vector.load %arg3[%get3A, %get3A_0] : memref<640x1xf32, #tpu.memory_space<vmem>>, vector<640x1xf32>
    %get3A_2 = arith.constant 0 : index
    %get3A_3 = arith.constant 0 : index
    %get3A_4 = vector.load %arg4[%get3A_2, %get3A_3] : memref<640x1xf32, #tpu.memory_space<vmem>>, vector<640x1xf32>
    %add3A = arith.addf %get3A_1, %get3A_4 : vector<640x1xf32>
    %add3A_5 = arith.constant 1.000000e-15 : f32
    %add3A_6 = vector.broadcast %add3A_5 : f32 to vector<640x1xf32>
    %add3A_7 = arith.addf %add3A, %add3A_6 : vector<640x1xf32>
    %get3A_8 = arith.constant 0 : index
    %get3A_9 = arith.constant 0 : index
    %get3A_10 = vector.load %arg1[%get3A_8, %get3A_9] : memref<640x64xf32, #tpu.memory_space<vmem>>, vector<640x64xf32>
    %get3A_11 = arith.constant 0 : index
    %get3A_12 = arith.constant 0 : index
    %get3A_13 = vector.load %arg2[%get3A_11, %get3A_12] : memref<640x64xf32, #tpu.memory_space<vmem>>, vector<640x64xf32>
    %concatenate3A = tpu.concatenate %get3A_10, %get3A_13 in 1 : vector<640x64xf32>, vector<640x64xf32> -> vector<640x128xf32>
    %div3A = vector.broadcast %add3A_7 : vector<640x1xf32> to vector<640x128xf32>
    %div3A_14 = arith.divf %concatenate3A, %div3A : vector<640x128xf32>
    %gt3A = arith.constant 0.000000e+00 : f32
    %gt3A_15 = vector.broadcast %gt3A : f32 to vector<640x128xf32>
    %gt3A_16 = arith.cmpf ogt, %div3A_14, %gt3A_15 : vector<640x128xf32>
    %min3A = arith.constant 0.000000e+00 : f32
    %min3A_17 = vector.broadcast %min3A : f32 to vector<640x128xf32>
    %min3A_18 = arith.minimumf %div3A_14, %min3A_17 : vector<640x128xf32>
    %exp3A = math.exp %min3A_18 : vector<640x128xf32>
    %sub3A = arith.constant 1.000000e+00 : f32
    %sub3A_19 = vector.broadcast %sub3A : f32 to vector<640x128xf32>
    %sub3A_20 = arith.subf %exp3A, %sub3A_19 : vector<640x128xf32>
    %select_n3A = arith.select %gt3A_16, %div3A_14, %sub3A_20 : vector<640x128xi1>, vector<640x128xf32>
    %swap3A = arith.constant 0 : index
    %swap3A_21 = arith.constant 0 : index
    %swap3A_22 = vector.load %arg5[%swap3A, %swap3A_21] : memref<640x128xf32, #tpu.memory_space<vmem>>, vector<640x128xf32>
    tpu.vector_store %arg5[%swap3A, %swap3A_21], %select_n3A {strides = array<i32>} : memref<640x128xf32, #tpu.memory_space<vmem>>, vector<640x128xf32>,
    return
  }
  func.func @transform_0(%arg0: i32) -> (i32, i32) {
    %c0_i32 = arith.constant 0 : i32
    %c0_i32_0 = arith.constant 0 : i32
    return %arg0, %c0_i32 : i32, i32
  }
  func.func @transform_1(%arg0: i32) -> (i32, i32) {
    %add3A = arith.constant 16 : i32
    %add3A_0 = arith.addi %arg0, %add3A : i32
    %c0_i32 = arith.constant 0 : i32
    %c0_i32_1 = arith.constant 0 : i32
    return %add3A_0, %c0_i32 : i32, i32
  }
  func.func @transform_2(%arg0: i32) -> (i32, i32) {
    %c0_i32 = arith.constant 0 : i32
    %c0_i32_0 = arith.constant 0 : i32
    return %arg0, %c0_i32 : i32, i32
  }
  func.func @transform_3(%arg0: i32) -> (i32, i32) {
    %add3A = arith.constant 16 : i32
    %add3A_0 = arith.addi %arg0, %add3A : i32
    %c0_i32 = arith.constant 0 : i32
    %c0_i32_1 = arith.constant 0 : i32
    return %add3A_0, %c0_i32 : i32, i32
  }
  func.func @transform_4(%arg0: i32) -> (i32, i32) {
    %c0_i32 = arith.constant 0 : i32
    %c0_i32_0 = arith.constant 0 : i32
    return %arg0, %c0_i32 : i32, i32
  }
}

</mosaic_0001>

<sc_bundles>
// kernel: kernel.5.cloned.1.call-start
scs
__scs_entry_jumppad:
0x0: {  	(pc) =	sbr.rel $0x88, $3  }
0x1: {  	(tag) =	ssettag $0x0;
	lr =	simm.s32 $0x1  }
0x2: {  	[smem:$0x3F9D] =	sst lr;
	_ =	strace $0xD0000000  }
0x3: {  	_ = 	snop  }
0x4: {  	_ = 	snop  }
0x5: {  	_ = 	snop  }
0x6: {  	_ = 	snop  }
0x7: {  	_ = 	snop  }
__scs_overlays_trampoline_lowered:
0x8: {  	[smem:$0x3FAC] =	sst s0  }
0x9: {  	[smem:$0x3FAD] =	sst s1  }
0xa: {  	[smem:$0x3FAE] =	sst s2  }
0xb: {  	[smem:$0x3FAF] =	sst s3  }
0xc: {  	[smem:$0x3FB0] =	sst s4  }
0xd: {  	[smem:$0x3FB1] =	sst s5  }
0xe: {  	[smem:$0x3FB2] =	sst s6  }
0xf: {  	[smem:$0x3FB3] =	sst s7  }
0x10: {  	[smem:$0x3FB4] =	sst s8  }
0x11: {  	[smem:$0x3FB5] =	sst s9;
	s0 =	simm.s32 @!p0 $0x0  }
0x12: {  	s1 =	sld [smem:$0x3F9B];
	s0 =	simm.s32 @p0 $0x1  }
0x13: {  	[smem:$0x3FB6] =	sst s0;
	s0 =	simm.s32 @!p1 $0x0  }
0x14: {  	s2 =	sld [smem:$0x3F9A];
	s0 =	simm.s32 @p1 $0x1  }
0x15: {  	[smem:$0x3FB7] =	sst s0;
	s0 =	simm.s32 @!p2 $0x0  }
0x16: {  	s3 =	sld [smem:$0x3FDB];
	s0 =	simm.s32 @p2 $0x1  }
0x17: {  	s4 =	simm.s32 $0x1BF5;
	[smem:$0x3FB9] =	sst s0  }
0x18: {  	s0 =	sld [smem:$0x3F9C];
	_ =	swait.ge [sflag:s4], $0x0  }
0x19: {  	s7 =	sld [smem:$0x3F9D]  }
0x1a: {  	s8 =	sadd.s32 $0xFFFFE003, lr  }
0x1b: {  	s9 =	sadd.s32 $0xFFFFFEF7, lr;
	s5 =	simm.s32 $0xFFFFFFFF;
	p2 =	slt.u32 s8, $0xFFFFF086  }
0x1c: {  	p1 =	slt.u32 s9, $0xF7A;
	s5 =	simm.s32 @!p2 $0x0  }
0x1d: {  	s5 =	simm.s32 @p1 $0x1;
	p0 =	seq.s32 s7, s2  }
0x1e: {  	s7 =	smul.u32 @!p0 $0xF7A, s2;
	p2 =	seq.s32 @!p0 s5, $0x0  }
0x1f: {  	s9 =	smul.u32 $0xF7A, s1;
	s8 =	simm.s32 @!p0 $0x1BF5;
	p2 =	por !p2, p0  }
0x20: {  	[sflag:s8] =	ssyncset.s32 @!p0 $0xFFFFF086;
	s6 =	sadd.s32 @!p0 s3, s7;
	s7 =	simm.s32 @!p0 $0x108  }
0x21: {  	s3 =	sadd.s32 s3, s9;
	s6 =	sadd.s32 @!p0 $0x88, s6;
	s7 =	simm.s32 @p2 $0x1082  }
0x22: {  	[simem:s7], [sflag:s8] =	dma.local @!p0 [hbm:s6], $0xF7A  }
0x23: {  	s9 =	sor.u32 $0xD0000000, s2;
	s6 =	simm.s32 $0x108;
	_ =	swait.ge @!p0 [sflag:s8], $0x0  }
0x24: {  	s3 =	sadd.s32 $0x88, s3;
	s6 =	simm.s32 @!p1 $0x1082;
	[sflag:s4] =	ssyncset.s32 $0xFFFFF086  }
0x25: {  	[simem:s6], [sflag:s4] =	dma.local [hbm:s3], $0xF7A  }
0x26: {  	[smem:$0x3F9D] =	sst s1;
	(tag) =	ssettag s2;
	_ =	strace s9  }
0x27: {  	s1 =	sld [smem:$0x3FAD]  }
0x28: {  	s2 =	sld [smem:$0x3FAE]  }
0x29: {  	s4 =	sld [smem:$0x3FB0]  }
0x2a: {  	p0 =	seq.s32 s5, $0x0;
	s5 =	sld [smem:$0x3FB1]  }
0x2b: {  	s6 =	sld [smem:$0x3FB2]  }
0x2c: {  	s7 =	sld [smem:$0x3FB3]  }
0x2d: {  	s3 =	simm.s32 $0x108;
	s8 =	sld [smem:$0x3FB4]  }
0x2e: {  	s3 =	simm.s32 @!p0 $0x1082;
	s9 =	sld [smem:$0x3FB5]  }
0x2f: {  	lr =	sadd.s32 s0, s3;
	s0 =	sld [smem:$0x3FAC]  }
0x30: {  	s3 =	sld [smem:$0x3FAF]  }
0x31: {  	[smem:$0x3FB8] =	sst s10  }
0x32: {  	s10 =	sld [smem:$0x3FB6];
	_ =	sdelay $0x3  }
0x33: {  	p0 =	seq.s32 s10, $0x1;
	s10 =	sld [smem:$0x3FB8];
	_ =	sdelay $0x3  }
0x34: {  	[smem:$0x3FB8] =	sst s10  }
0x35: {  	s10 =	sld [smem:$0x3FB7];
	_ =	sdelay $0x3  }
0x36: {  	p1 =	seq.s32 s10, $0x1;
	s10 =	sld [smem:$0x3FB8];
	_ =	sdelay $0x3  }
0x37: {  	[smem:$0x3FB8] =	sst s10  }
0x38: {  	s10 =	sld [smem:$0x3FB9]  }
0x39: {  	_ = 	snop;
	(pc) =	sbr.ind lr, $3  }
0x3a: {  	_ = 	snop  }
0x3b: {  	_ = 	snop  }
0x3c: {  	p2 =	seq.s32 s10, $0x1;
	s10 =	sld [smem:$0x3FB8]  }
0x3d: {  	_ =	shalt  }
0x3e: {  	_ =	shalt  }
0x3f: {  	_ =	shalt  }
0x40: {  	_ =	shalt  }
0x41: {  	_ =	shalt  }
0x42: {  	_ =	shalt  }
0x43: {  	_ =	shalt  }
0x44: {  	_ =	shalt  }
0x45: {  	_ =	shalt  }
0x46: {  	_ =	shalt  }
0x47: {  	_ =	shalt  }
0x48: {  	_ =	shalt  }
0x49: {  	_ =	shalt  }
0x4a: {  	_ =	shalt  }
0x4b: {  	_ =	shalt  }
0x4c: {  	_ =	shalt  }
0x4d: {  	_ =	shalt  }
0x4e: {  	_ =	shalt  }
0x4f: {  	_ =	shalt  }
0x50: {  	_ =	shalt  }
0x51: {  	_ =	shalt  }
0x52: {  	_ =	shalt  }
0x53: {  	_ =	shalt  }
0x54: {  	_ =	shalt  }
0x55: {  	_ =	shalt  }
0x56: {  	_ =	shalt  }
0x57: {  	_ =	shalt  }
0x58: {  	_ =	shalt  }
0x59: {  	_ =	shalt  }
0x5a: {  	_ =	shalt  }
0x5b: {  	_ =	shalt  }
0x5c: {  	_ =	shalt  }
0x5d: {  	_ =	shalt  }
0x5e: {  	_ =	shalt  }
0x5f: {  	_ =	shalt  }
0x60: {  	_ =	shalt  }
0x61: {  	_ =	shalt  }
0x62: {  	_ =	shalt  }
0x63: {  	_ =	shalt  }
0x64: {  	_ =	shalt  }
0x65: {  	_ =	shalt  }
0x66: {  	_ =	shalt  }
0x67: {  	_ =	shalt  }
0x68: {  	_ =	shalt  }
0x69: {  	_ =	shalt  }
0x6a: {  	_ =	shalt  }
0x6b: {  	_ =	shalt  }
0x6c: {  	_ =	shalt  }
0x6d: {  	_ =	shalt  }
0x6e: {  	_ =	shalt  }
0x6f: {  	_ =	shalt  }
0x70: {  	_ =	shalt  }
0x71: {  	_ =	shalt  }
0x72: {  	_ =	shalt  }
0x73: {  	_ =	shalt  }
0x74: {  	_ =	shalt  }
0x75: {  	_ =	shalt  }
0x76: {  	_ =	shalt  }
0x77: {  	_ =	shalt  }
0x78: {  	_ =	shalt  }
0x79: {  	_ =	shalt  }
0x7a: {  	_ =	shalt  }
0x7b: {  	_ =	shalt  }
0x7c: {  	_ =	shalt  }
0x7d: {  	_ =	shalt  }
0x7e: {  	_ =	shalt  }
0x7f: {  	_ =	shalt  }
0x80: {  	_ =	shalt  }
0x81: {  	_ =	shalt  }
0x82: {  	_ =	shalt  }
0x83: {  	_ =	shalt  }
0x84: {  	_ =	shalt  }
0x85: {  	_ =	shalt  }
0x86: {  	_ =	shalt  }
0x87: {  	_ =	shalt  }
.Lfunc_end0:
.L_simem_size_0:
called_computation_lowered:
.L_overlay_start_0:
0x88: {  	s2 =	sld [smem:$0x3FD9]  }
0x89: {  	s3 =	sld [smem:$0x3FFE];
	_ =	sdelay $0x1  }
0x8a: {  	s1 =	srdreg.scid  }
0x8b: {  	s0 =	sand.u32 $0x1, s1  }
0x8c: {  	s17 =	sshll.u32 s0, $0xA;
	s2 =	sadd.s32 s3, s2  }
0x8d: {  	s2 =	sadd.s32 s2, s17  }
0x8e: {  	[smem:$0x3FC4] =	sst s2  }
0x8f: {  	_ = 	snop  }
0x90: {  	s2 =	sld [smem:$0x3FD0];
	(tm) =	ssettm $0x1  }
0x91: {  	s18 =	sld [smem:$0x3FFB];
	_ =	sdelay $0x3  }
0x92: {  	_ =	strace s18  }
0x93: {  	s3 =	sld [smem:$0x3FFC];
	_ =	sdelay $0x3  }
0x94: {  	_ =	strace s3  }
0x95: {  	s3 =	sld [smem:$0x3FFD];
	_ =	sdelay $0x3  }
0x96: {  	_ =	strace s3  }
0x97: {  	_ =	strace $0x8FFFFFFF  }
0x98: {  	s19 =	sld [smem:$0x3FDB];
	_ =	sdelay $0x1  }
0x99: {  	s4 =	simm.s32 $_scs_section_size  }
0x9a: {  	s5 =	simm.s32 $_size__tile_overlayer_lowered;
	s6 =	simm.s32 $_tile_overlayer_lowered  }
0x9b: {  	s22 =	simm.s32 $0x1BFF;
	s21 =	sshll.u32 s6, $0x1;
	s3 =	sadd.s32 s4, s19  }
0x9c: {  	s7 =	simm.s32 $0x0;
	s20 =	sshll.u32 s5, $0x1;
	s5 =	sadd.s32 s21, s3  }
0x9d: {  	[timem:s7], [sflag:s22] =	dma.local [hbm:s5], s20  }
0x9e: {  	_ =	swait.ge [sflag:s22], s20  }
0x9f: {  	s4 =	ssub.s32 $0x0, s20;
	[sflag:s22] =	ssyncset.done $0x0  }
0xa0: {  	[sflag:s22] =	ssyncadd.s32 s4;
	_ =	sdelay $0x1  }
0xa1: {  	s23 =	simm.s32 $0x1B8B  }
0xa2: {  	_ =	swait.ge [sflag:s23], $0x1  }
0xa3: {  	[sflag:s23] =	ssyncset.done $0x0  }
0xa4: {  	s25 =	simm.s32 $0x1B8E;
	s24 =	sld [smem:$0x3FFE];
	[sflag:s23] =	ssyncadd.s32 $0xFFFFFFFF  }
0xa5: {  	s26 =	simm.s32 $execute0_lowered;
	[smem:$0x3FD2] =	sst s25  }
0xa6: {  	s5 =	sshll.u32 s26, $0x1;
	_ =	strace $0x80000046;
	[dreg:$0x1] =	wrdreg $0xFFFFFFFF  }
0xa7: {  	s28 =	simm.s32 $_size_execute0_lowered;
	s3 =	sadd.s32 s3, s5;
	[dreg:$0x0] =	wrdreg $0x0  }
0xa8: {  	s5 =	sshll.u32 s28, $0x1;
	[dreg:$0x2] =	wrdreg s3  }
0xa9: {  	[dreg:$0x3] =	wrdreg s5  }
0xaa: {  	[dreg:$0x4] =	wrdreg $0xC0  }
0xab: {  	_ =	task [dreg:s7], $0x5FFFF  }
0xac: {  	[dreg:$0x1] =	wrdreg $0xFFFFFFFF  }
0xad: {  	[dreg:$0x0] =	wrdreg $0x60  }
0xae: {  	[dreg:$0x2] =	wrdreg s24  }
0xaf: {  	[dreg:$0x3] =	wrdreg s2  }
0xb0: {  	[dreg:$0x4] =	wrdreg $0x15D800  }
0xb1: {  	[dreg:$0x5] =	wrdreg $0x1FD800  }
0xb2: {  	[dreg:$0x6] =	wrdreg $0x9  }
0xb3: {  	_ =	task.clear_ibuf [dreg:s7], $0x7FFFF;
	_ =	strace $0x90000046  }
0xb4: {  	s29 =	simm.s32 $0x9;
	_ =	strace $0x80000048  }
0xb5: {  	_ =	swait.ge [sflag:s29], $0x1  }
0xb6: {  	[sflag:s29] =	ssyncadd.s32 $0xFFFFFFFF  }
0xb7: {  	_ =	strace $0x90000048  }
0xb8: {  	_ =	sfence  }
0xb9: {  	s30 =	sld [smem:$0x0];
	_ =	sdelay $0x2  }
0xba: {  	s31 =	sshll.u32 s1, $0xD;
	s1 =	sshrl.u32 s1, $0x2  }
0xbb: {  	s3 =	sand.u32 $0x4000, s31;
	s1 =	sadd.s32 s1, s30  }
0xbc: {  	s0 =	sor.u32 s3, s0;
	s1 =	sshll.u32 s1, $0x11  }
0xbd: {  	s0 =	sor.u32 s1, s0  }
0xbe: {  	s0 =	sadd.s32 $0x8F2B, s0  }
0xbf: {  	[sflag:s0] =	ssyncadd.remote.s32 $0x1  }
0xc0: {  	_ =	sfence.sel $0xFFFF  }
0xc1: {  	[dreg:$0x0] =	wrdreg $0xFFFFFFFF;
	(pc) =	sbr.abs _section_cstart, $3  }
0xc2: {  	[dreg:$0x1] =	wrdreg $0xFFFFFFFF  }
0xc3: {  	_ =	task.clear_ibuf [dreg:s7], $0x2FFFF;
	_ =	strace $0x9FFFFFFF  }
0xc4: {  	(tm) =	ssettm $0x7FFFFFFF  }
0xc5: {  	_ =	shalt  }
tec
execute0_lowered:
.L_overlay_start_1:
0x0: {  	(tag) =	ssettag $0x1  }
0x1: {  	s0 =	rddreg [dreg:$0x0]  }
0x2: {  	s1 =	rddreg [dreg:$0x1]  }
0x3: {  	s3 =	srdreg.scid;
	s2 =	rddreg [dreg:$0x2]  }
0x4: {  	s11 =	stileid.u32;
	s4 =	rddreg [dreg:$0x3]  }
0x5: {  	s5 =	simm.s32 $0x0;
	s28 =	simm.s32 $0x50;
	s29 =	simm.s32 $0x0  }
0x6: {  	s3 =	sand.u32 $0x1, s3;
	s6 =	smul.u32 $0x280, s11;
	[smem:$0x7FF] =	sst s5  }
0x7: {  	s9 =	sadd.s32 $0x61E00, s0;
	s19 =	sadd.s32 $0x62400, s0;
	s20 =	smul.u32 $0x28000, s11  }
0x8: {  	s11 =	smul.u32 $0x9C4, s11;
	_ =	strace $0x80000047;
	[dreg:$0x5] =	wrdreg s9  }
0x9: {  	s7 =	smul.u32 $0x2800, s3;
	[dreg:$0x6] =	wrdreg s19;
	s21 =	ssub.s32 $0x2, s3  }
0xa: {  	s23 =	smul.u32 $0x13880, s3;
	s19 =	sadd.s32 $0x9, s3;
	s12 =	sshrl.u32 s21, $0x1  }
0xb: {  	s13 =	sshrl.u32 s20, $0x2;
	s15 =	sadd.s32 s6, s4;
	s31 =	sshrl.u32 s6, $0x3  }
0xc: {  	s20 =	simm.s32 $0xB;
	s8 =	sadd.s32 s6, s7;
	s7 =	sshrl.u32 s7, $0x3  }
0xd: {  	s12 =	ssub.s32 s21, s12;
	s9 =	sadd.s32 s13, s2;
	s16 =	sadd.s32 s1, s23  }
0xe: {  	s21 =	simm.s32 $0x4E20;
	s23 =	simm.s32 $0xC350;
	s1 =	simm.s32 $0x5  }
0xf: {  	s8 =	sshll.u32 s8, $0x3;
	s7 =	sadd.s32 s7, s0;
	s22 =	sadd.s32 $0x2000, s9  }
0x10: {  	s24 =	sadd.s32 $0x4000, s9;
	s25 =	sadd.s32 $0x6000, s9;
	[dreg:$0x8] =	wrdreg s22  }
0x11: {  	s26 =	sadd.s32 $0x8000, s9;
	s18 =	smax.u32 s12, $0x1;
	[dreg:$0x9] =	wrdreg s24  }
0x12: {  	s10 =	sadd.s32 s8, s0;
	s8 =	sadd.s32 s0, s11;
	[dreg:$0xa] =	wrdreg s25  }
0x13: {  	[dreg:$0xb] =	wrdreg s26;
	s30 =	sadd.s32 $0x3BC00, s7;
	s22 =	simm.s32 $0x9C40  }
0x14: {  	s25 =	simm.s32 $0xEB00;
	s26 =	simm.s32 $0x6;
	s0 =	sadd.s32 $0x9E00, s8  }
0x15: {  	v0 =	vimm.f32 $0.0e+00;
	s17 =	sadd.s32 $0x13C00, s10;
	s24 =	sadd.s32 s31, s30;
	[dreg:$0x7] =	wrdreg s0  }
.LBB2_1:
0x16: {  	s0 =	rddreg [dreg:$0x7]  }
0x17: {  	[tilespmem:s5], [sflag:$0xB] =	stream.linear.gather [hbm4b:s0+s5], $0x4E20, $0x38;
	v63 =	vld [tilespmem:$0x0]  }
0x18: {  	_ =	swait.ge [sflag:s20], $0x4E20  }
0x19: {  	[sflag:s20] =	ssyncset.done $0x0  }
0x1a: {  	[sflag:s20] =	ssyncadd.s32 $0xFFFFB1E0  }
0x1b: {  	[tilespmem:s21], [sflag:$0xB] =	stream.linear.gather [hbm4b:s8+s5], $0x4E20, $0x38;
	v63 =	vld [tilespmem:$0x0]  }
0x1c: {  	_ =	swait.ge [sflag:s20], $0x4E20  }
0x1d: {  	[sflag:s20] =	ssyncset.done $0x0  }
0x1e: {  	s30 =	rddreg [dreg:$0x5];
	[sflag:s20] =	ssyncadd.s32 $0xFFFFB1E0  }
0x1f: {  	[tilespmem:s22], [sflag:$0xB] =	stream.linear.gather [hbm4b:s30+s5], $0x2710, $0x38;
	v63 =	vld [tilespmem:$0x0]  }
0x20: {  	_ =	swait.ge [sflag:s20], $0x2710  }
0x21: {  	[sflag:s20] =	ssyncset.done $0x0  }
0x22: {  	s31 =	rddreg [dreg:$0x6];
	[sflag:s20] =	ssyncadd.s32 $0xFFFFD8F0  }
0x23: {  	[tilespmem:s23], [sflag:$0xB] =	stream.linear.gather [hbm4b:s31+s5], $0x2710, $0x38;
	v63 =	vld [tilespmem:$0x0]  }
0x24: {  	_ =	swait.ge [sflag:s20], $0x2710  }
0x25: {  	[sflag:s20] =	ssyncset.done $0x0  }
0x26: {  	s6 =	simm.s32 $0x100;
	s0 =	simm.s32 $0x0;
	[sflag:s20] =	ssyncadd.s32 $0xFFFFD8F0  }
.LBB2_2:
0x27: {  	p0 =	sne.s32 s6, $0x7F00;
	[tilespmem:s0+$0xEB30] =	vst v0;
	s7 =	smov.u32 s6;
	s6 =	sadd.s32 $0x100, s6  }
.Ltmp0:
0x28: {  	[tilespmem:s0+$0xEB20] =	vst v0;
	(pc) =	sbr.rel @p0 .LBB2_2-.Ltmp0, $3  }
0x29: {  	[tilespmem:s0+$0xEB00] =	vst v0  }
0x2a: {  	[tilespmem:s0+$0xEB10] =	vst v0;
	_ =	sdelay $0x1  }
0x2b: {  	s0 =	sshra.s32 s7, $0x2  }
0x2c: {  	[tilespmem:s0+$0xEB30] =	vst v0  }
0x2d: {  	[tilespmem:s0+$0xEB20] =	vst v0  }
0x2e: {  	[tilespmem:s0+$0xEB00] =	vst v0  }
0x2f: {  	[tilespmem:s0+$0xEB10] =	vst v0  }
0x30: {  	[tilespmem:$0x10B00] =	vst v0  }
0x31: {  	[tilespmem:$0x10B10] =	vst v0  }
0x32: {  	[tilespmem:$0x10B20] =	vst v0  }
0x33: {  	[tilespmem:$0x10B30] =	vst v0  }
0x34: {  	[tilespmem:$0x10B40] =	vst v0  }
0x35: {  	[tilespmem:$0x10B50] =	vst v0  }
0x36: {  	[tilespmem:$0x10B60] =	vst v0  }
0x37: {  	[tilespmem:$0x10B70] =	vst v0  }
0x38: {  	[tilespmem:$0x10B80] =	vst v0  }
0x39: {  	[tilespmem:$0x10B90] =	vst v0  }
0x3a: {  	[tilespmem:$0x10BA0] =	vst v0  }
0x3b: {  	[tilespmem:$0x10BB0] =	vst v0  }
0x3c: {  	[tilespmem:$0x10BC0] =	vst v0  }
0x3d: {  	[tilespmem:$0x10BD0] =	vst v0  }
0x3e: {  	[tilespmem:$0x10BE0] =	vst v0  }
0x3f: {  	[tilespmem:$0x10BF0] =	vst v0  }
0x40: {  	[tilespmem:$0x10C00] =	vst v0  }
0x41: {  	[tilespmem:$0x10C10] =	vst v0  }
0x42: {  	[tilespmem:$0x10C20] =	vst v0  }
0x43: {  	[tilespmem:$0x10C30] =	vst v0  }
0x44: {  	[tilespmem:$0x10C40] =	vst v0  }
0x45: {  	[tilespmem:$0x10C50] =	vst v0  }
0x46: {  	[tilespmem:$0x10C60] =	vst v0  }
0x47: {  	[tilespmem:$0x10C70] =	vst v0  }
0x48: {  	[tilespmem:$0x10C80] =	vst v0  }
0x49: {  	[tilespmem:$0x10C90] =	vst v0  }
0x4a: {  	[tilespmem:$0x10CA0] =	vst v0  }
0x4b: {  	[tilespmem:$0x10CB0] =	vst v0  }
0x4c: {  	[tilespmem:$0x10CC0] =	vst v0  }
0x4d: {  	[tilespmem:$0x10CD0] =	vst v0  }
0x4e: {  	[tilespmem:$0x10CE0] =	vst v0  }
0x4f: {  	[tilespmem:$0x10CF0] =	vst v0  }
0x50: {  	[tilespmem:$0x10D00] =	vst v0  }
0x51: {  	[tilespmem:$0x10D10] =	vst v0  }
0x52: {  	[tilespmem:$0x10D20] =	vst v0  }
0x53: {  	[tilespmem:$0x10D30] =	vst v0  }
0x54: {  	[tilespmem:$0x10D40] =	vst v0  }
0x55: {  	[tilespmem:$0x10D50] =	vst v0  }
0x56: {  	[tilespmem:$0x10D60] =	vst v0  }
0x57: {  	[tilespmem:$0x10D70] =	vst v0  }
0x58: {  	[spmem:s9] =	stream.linear.scatter [tilespmem:s25], [sflag:$0xB], $0x2000, $0x38;
	v63 =	vld [tilespmem:$0x0]  }
0x59: {  	_ =	swait.ge [sflag:s20], $0x2000  }
0x5a: {  	[sflag:s20] =	ssyncset.done $0x0  }
0x5b: {  	s6 =	rddreg [dreg:$0x8];
	[sflag:s20] =	ssyncadd.s32 $0xFFFFE000  }
0x5c: {  	[spmem:s6] =	stream.linear.scatter [tilespmem:s25], [sflag:$0xB], $0x2000, $0x38;
	v63 =	vld [tilespmem:$0x0]  }
0x5d: {  	_ =	swait.ge [sflag:s20], $0x2000  }
0x5e: {  	[sflag:s20] =	ssyncset.done $0x0  }
0x5f: {  	s7 =	rddreg [dreg:$0x9];
	[sflag:s20] =	ssyncadd.s32 $0xFFFFE000  }
0x60: {  	[spmem:s7] =	stream.linear.scatter [tilespmem:s25], [sflag:$0xB], $0x2000, $0x38;
	v63 =	vld [tilespmem:$0x0]  }
0x61: {  	_ =	swait.ge [sflag:s20], $0x2000  }
0x62: {  	[sflag:s20] =	ssyncset.done $0x0  }
0x63: {  	s10 =	rddreg [dreg:$0xa];
	[sflag:s20] =	ssyncadd.s32 $0xFFFFE000  }
0x64: {  	[spmem:s10] =	stream.linear.scatter [tilespmem:s25], [sflag:$0xB], $0x2000, $0x38;
	v63 =	vld [tilespmem:$0x0]  }
0x65: {  	_ =	swait.ge [sflag:s20], $0x2000  }
0x66: {  	[sflag:s20] =	ssyncset.done $0x0  }
0x67: {  	s11 =	rddreg [dreg:$0xb];
	[sflag:s20] =	ssyncadd.s32 $0xFFFFE000  }
0x68: {  	[spmem:s11] =	stream.linear.scatter [tilespmem:s25], [sflag:$0xB], $0x2000, $0x38;
	v63 =	vld [tilespmem:$0x0]  }
0x69: {  	_ =	swait.ge [sflag:s20], $0x2000  }
0x6a: {  	[sflag:s20] =	ssyncset.done $0x0  }
0x6b: {  	s12 =	simm.s32 $0x10B00;
	[sflag:s20] =	ssyncadd.s32 $0xFFFFE000  }
0x6c: {  	[spmem:s15] =	stream.linear.scatter [tilespmem:s12], [sflag:$0xB], $0x280, $0x38;
	v63 =	vld [tilespmem:$0x0]  }
0x6d: {  	_ =	swait.ge [sflag:s20], $0x280  }
0x6e: {  	[sflag:s20] =	ssyncset.done $0x0  }
0x6f: {  	s13 =	simm.s32 $0x10D80;
	[sflag:s20] =	ssyncadd.s32 $0xFFFFFD80  }
0x70: {  	s14 =	simm.s32 $0x4E70;
	s30 =	simm.s32 $0x0;
	[bflag:$0x0] =	sbarrier.arrive $0xFFFF  }
0x71: {  	[tilespmem:s13], [sflag:$0x1] =	stream.indirect.gather [hbm4b:s16+s28], $0x40, s21, s28, $0xb8;
	v63 =	vld [tilespmem:$0x0]  }
0x72: {  	p0 =	por $0x0, $0x0;
	s31 =	simm.s32 $0x0;
	s6 =	simm.s32 $0x12180  }
0x73: {  	[tilespmem:s6], [sflag:$0x2] =	stream.indirect.gather [hbm4b:s16+s28], $0x40, s14, s28, $0xb8;
	v63 =	vld [tilespmem:$0x0]  }
.LBB2_4:
0x74: {  	s0 =	sand.u32 $0x1, s31;
	p1 =	slt.u32 s31, $0x2  }
0x75: {  	p2 =	sne.s32 @!p1 s0, s3  }
0x76: {  	p2 =	por p2, p1  }
0x77: {  	_ =	swait.ge @!p2 [sflag:s19], $0x50  }
0x78: {  	s6 =	smul.u32 $0x50, s31;
	[sflag:s19] =	ssyncset.done @!p2 $0x0  }
0x79: {  	[sflag:s19] =	ssyncadd.s32 @!p2 $0xFFFFFFB0  }
0x7a: {  	v1 =	vld [tilespmem:s6+$0x0]  }
0x7b: {  	v2 =	vld [tilespmem:s6+$0x4E20];
	_ =	sdelay $0x6  }
0x7c: {  	v1 =	vld.idx.msk [tilespmem:v1+s22+$0x0], $0xffff  }
0x7d: {  	v2 =	vld.idx.msk [tilespmem:v2+s23+$0x0], $0xffff;
	_ =	sdelay $0x4  }
0x7e: {  	v1 =	vadd.f32 v2, v1;
	_ =	sdelay $0x1  }
0x7f: {  	v2 =	vmul.f32 $2.000000030e-01, v1;
	_ =	sdelay $0x1  }
0x80: {  	v1 =	vmax.f32 v1, v2  }
0x81: {  	v1 =	vmul.f32 $1.442695020e+00, v1;
	_ =	sdelay $0x1  }
0x82: {  	(erf) = vpow2.f32 v1;
	_ =	sdelay $0x6  }
0x83: {  	s7 =	smul.u32 $0x140, s0;
	_ =	sdelay $0x1  }
0x84: {  	s10 =	sshrl.u32 s7, $0x2;
	v1 =	vpop (erf)  }
0x85: {  	[tilespmem:s10+$0xEA60] =	vst v1  }
0x86: {  	v1 =	vld [tilespmem:s6+$0x10]  }
0x87: {  	v2 =	vld [tilespmem:s6+$0x4E30];
	_ =	sdelay $0x6  }
0x88: {  	v1 =	vld.idx.msk [tilespmem:v1+s22+$0x0], $0xffff  }
0x89: {  	v2 =	vld.idx.msk [tilespmem:v2+s23+$0x0], $0xffff;
	_ =	sdelay $0x4  }
0x8a: {  	v1 =	vadd.f32 v2, v1;
	_ =	sdelay $0x1  }
0x8b: {  	v2 =	vmul.f32 $2.000000030e-01, v1;
	_ =	sdelay $0x1  }
0x8c: {  	v1 =	vmax.f32 v1, v2  }
0x8d: {  	v1 =	vmul.f32 $1.442695020e+00, v1;
	_ =	sdelay $0x1  }
0x8e: {  	(erf) = vpow2.f32 v1;
	_ =	sdelay $0x8  }
0x8f: {  	v1 =	vpop (erf)  }
0x90: {  	[tilespmem:s10+$0xEA70] =	vst v1  }
0x91: {  	v1 =	vld [tilespmem:s6+$0x20]  }
0x92: {  	v2 =	vld [tilespmem:s6+$0x4E40];
	_ =	sdelay $0x6  }
0x93: {  	v1 =	vld.idx.msk [tilespmem:v1+s22+$0x0], $0xffff  }
0x94: {  	v2 =	vld.idx.msk [tilespmem:v2+s23+$0x0], $0xffff;
	_ =	sdelay $0x4  }
0x95: {  	v1 =	vadd.f32 v2, v1;
	_ =	sdelay $0x1  }
0x96: {  	v2 =	vmul.f32 $2.000000030e-01, v1;
	_ =	sdelay $0x1  }
0x97: {  	v1 =	vmax.f32 v1, v2  }
0x98: {  	v1 =	vmul.f32 $1.442695020e+00, v1;
	_ =	sdelay $0x1  }
0x99: {  	(erf) = vpow2.f32 v1;
	_ =	sdelay $0x8  }
0x9a: {  	v1 =	vpop (erf)  }
0x9b: {  	[tilespmem:s10+$0xEA80] =	vst v1  }
0x9c: {  	v1 =	vld [tilespmem:s6+$0x30]  }
0x9d: {  	v2 =	vld [tilespmem:s6+$0x4E50];
	_ =	sdelay $0x6  }
0x9e: {  	v1 =	vld.idx.msk [tilespmem:v1+s22+$0x0], $0xffff  }
0x9f: {  	v2 =	vld.idx.msk [tilespmem:v2+s23+$0x0], $0xffff;
	_ =	sdelay $0x4  }
0xa0: {  	v1 =	vadd.f32 v2, v1;
	_ =	sdelay $0x1  }
0xa1: {  	v2 =	vmul.f32 $2.000000030e-01, v1;
	_ =	sdelay $0x1  }
0xa2: {  	v1 =	vmax.f32 v1, v2  }
0xa3: {  	v1 =	vmul.f32 $1.442695020e+00, v1;
	_ =	sdelay $0x1  }
0xa4: {  	(erf) = vpow2.f32 v1;
	_ =	sdelay $0x8  }
0xa5: {  	v1 =	vpop (erf)  }
0xa6: {  	[tilespmem:s10+$0xEA90] =	vst v1  }
0xa7: {  	v1 =	vld [tilespmem:s6+$0x40]  }
0xa8: {  	v2 =	vld [tilespmem:s6+$0x4E60];
	_ =	sdelay $0x6  }
0xa9: {  	v1 =	vld.idx.msk [tilespmem:v1+s22+$0x0], $0xffff  }
0xaa: {  	v2 =	vld.idx.msk [tilespmem:v2+s23+$0x0], $0xffff;
	_ =	sdelay $0x4  }
0xab: {  	v1 =	vadd.f32 v2, v1;
	_ =	sdelay $0x1  }
0xac: {  	v2 =	vmul.f32 $2.000000030e-01, v1;
	_ =	sdelay $0x1  }
0xad: {  	v1 =	vmax.f32 v1, v2  }
0xae: {  	v1 =	vmul.f32 $1.442695020e+00, v1;
	_ =	sdelay $0x1  }
0xaf: {  	(erf) = vpow2.f32 v1;
	_ =	sdelay $0x7  }
0xb0: {  	s11 =	simm.s32 $0x1  }
0xb1: {  	s11 =	simm.s32 @!p0 $0x0;
	s7 =	sand.u32 $0x3, s31;
	v1 =	vpop (erf)  }
0xb2: {  	s11 =	smul.u32 $0x140, s11;
	s13 =	sadd.s32 $0x1, s7;
	[tilespmem:s10+$0xEAA0] =	vst v1  }
0xb3: {  	_ =	swait.ge [sflag:s13], $0x1400  }
0xb4: {  	s12 =	sand.u32 $0x3, s30;
	s11 =	sshrl.u32 s11, $0x2;
	[sflag:s13] =	ssyncset.done $0x0  }
0xb5: {  	s12 =	smul.u32 $0x5000, s12;
	[sflag:s13] =	ssyncadd.s32 $0xFFFFEC00;
	s13 =	sadd.s32 $0xEA60, s11  }
0xb6: {  	s14 =	smul.u32 $0x5000, s7;
	v1 =	vmov s13  }
0xb7: {  	s12 =	sshrl.u32 s12, $0x2  }
0xb8: {  	s12 =	sadd.s32 $0x10F80, s12;
	s14 =	sshrl.u32 s14, $0x2  }
0xb9: {  	s10 =	sadd.s32 $0xEA60, s10;
	s11 =	sadd.s32 $0x10D80, s14;
	s13 =	simm.s32 $0x0  }
.LBB2_5:
0xba: {  	s14 =	sshra.s32 s13, $0x2  }
0xbb: {  	v2 =	vld.idx.msk [tilespmem:v1+s14+$0x0 ss:$0x1], $0xffff;
	_ =	sdelay $0x1  }
0xbc: {  	v3 =	vld [tilespmem:s12+$0xFFFFFE00];
	_ =	sdelay $0x2  }
0xbd: {  	v4 =	vbroadcast v2, $0x0;
	_ =	sdelay $0x1  }
0xbe: {  	v3 =	vmul.f32 v4, v3;
	_ =	sdelay $0x1  }
0xbf: {  	[tilespmem:s12+$0xFFFFFE00] =	vst v3;
	v3 =	vld [tilespmem:s12+$0xFFFFFE10];
	_ =	sdelay $0x4  }
0xc0: {  	v3 =	vmul.f32 v3, v4;
	_ =	sdelay $0x1  }
0xc1: {  	[tilespmem:s12+$0xFFFFFE10] =	vst v3;
	v3 =	vld [tilespmem:s12+$0xFFFFFE20];
	_ =	sdelay $0x4  }
0xc2: {  	v3 =	vmul.f32 v3, v4;
	_ =	sdelay $0x1  }
0xc3: {  	[tilespmem:s12+$0xFFFFFE20] =	vst v3;
	v3 =	vld [tilespmem:s12+$0xFFFFFE30];
	_ =	sdelay $0x4  }
0xc4: {  	v3 =	vmul.f32 v3, v4;
	_ =	sdelay $0x1  }
0xc5: {  	[tilespmem:s12+$0xFFFFFE30] =	vst v3;
	v3 =	vld [tilespmem:s12+$0xFFFFFE40];
	_ =	sdelay $0x2  }
0xc6: {  	v49 =	vbroadcast v2, $0x1;
	_ =	sdelay $0x1  }
0xc7: {  	v3 =	vmul.f32 v3, v49;
	_ =	sdelay $0x1  }
0xc8: {  	[tilespmem:s12+$0xFFFFFE40] =	vst v3;
	v3 =	vld [tilespmem:s12+$0xFFFFFE50];
	_ =	sdelay $0x4  }
0xc9: {  	v3 =	vmul.f32 v3, v49;
	_ =	sdelay $0x1  }
0xca: {  	[tilespmem:s12+$0xFFFFFE50] =	vst v3;
	v3 =	vld [tilespmem:s12+$0xFFFFFE60];
	_ =	sdelay $0x4  }
0xcb: {  	v3 =	vmul.f32 v3, v49;
	_ =	sdelay $0x1  }
0xcc: {  	[tilespmem:s12+$0xFFFFFE60] =	vst v3;
	v3 =	vld [tilespmem:s12+$0xFFFFFE70];
	_ =	sdelay $0x4  }
0xcd: {  	v3 =	vmul.f32 v3, v49;
	_ =	sdelay $0x1  }
0xce: {  	[tilespmem:s12+$0xFFFFFE70] =	vst v3;
	v3 =	vld [tilespmem:s12+$0xFFFFFE80];
	_ =	sdelay $0x2  }
0xcf: {  	v50 =	vbroadcast v2, $0x2;
	_ =	sdelay $0x1  }
0xd0: {  	v3 =	vmul.f32 v3, v50;
	_ =	sdelay $0x1  }
0xd1: {  	[tilespmem:s12+$0xFFFFFE80] =	vst v3;
	v3 =	vld [tilespmem:s12+$0xFFFFFE90];
	_ =	sdelay $0x4  }
0xd2: {  	v3 =	vmul.f32 v3, v50;
	_ =	sdelay $0x1  }
0xd3: {  	[tilespmem:s12+$0xFFFFFE90] =	vst v3;
	v3 =	vld [tilespmem:s12+$0xFFFFFEA0];
	_ =	sdelay $0x4  }
0xd4: {  	v3 =	vmul.f32 v3, v50;
	_ =	sdelay $0x1  }
0xd5: {  	[tilespmem:s12+$0xFFFFFEA0] =	vst v3;
	v3 =	vld [tilespmem:s12+$0xFFFFFEB0];
	_ =	sdelay $0x4  }
0xd6: {  	v3 =	vmul.f32 v3, v50;
	_ =	sdelay $0x1  }
0xd7: {  	[tilespmem:s12+$0xFFFFFEB0] =	vst v3;
	v3 =	vld [tilespmem:s12+$0xFFFFFEC0];
	_ =	sdelay $0x2  }
0xd8: {  	v51 =	vbroadcast v2, $0x3;
	_ =	sdelay $0x1  }
0xd9: {  	v3 =	vmul.f32 v3, v51;
	_ =	sdelay $0x1  }
0xda: {  	[tilespmem:s12+$0xFFFFFEC0] =	vst v3;
	v3 =	vld [tilespmem:s12+$0xFFFFFED0];
	_ =	sdelay $0x4  }
0xdb: {  	v3 =	vmul.f32 v3, v51;
	_ =	sdelay $0x1  }
0xdc: {  	[tilespmem:s12+$0xFFFFFED0] =	vst v3;
	v3 =	vld [tilespmem:s12+$0xFFFFFEE0];
	_ =	sdelay $0x4  }
0xdd: {  	v3 =	vmul.f32 v3, v51;
	_ =	sdelay $0x1  }
0xde: {  	[tilespmem:s12+$0xFFFFFEE0] =	vst v3;
	v3 =	vld [tilespmem:s12+$0xFFFFFEF0];
	_ =	sdelay $0x4  }
0xdf: {  	v3 =	vmul.f32 v3, v51;
	_ =	sdelay $0x1  }
0xe0: {  	[tilespmem:s12+$0xFFFFFEF0] =	vst v3;
	v3 =	vld [tilespmem:s12+$0xFFFFFF00];
	_ =	sdelay $0x2  }
0xe1: {  	v52 =	vbroadcast v2, $0x4;
	_ =	sdelay $0x1  }
0xe2: {  	v3 =	vmul.f32 v3, v52;
	_ =	sdelay $0x1  }
0xe3: {  	[tilespmem:s12+$0xFFFFFF00] =	vst v3;
	v3 =	vld [tilespmem:s12+$0xFFFFFF10];
	_ =	sdelay $0x4  }
0xe4: {  	v3 =	vmul.f32 v3, v52;
	_ =	sdelay $0x1  }
0xe5: {  	[tilespmem:s12+$0xFFFFFF10] =	vst v3;
	v3 =	vld [tilespmem:s12+$0xFFFFFF20];
	_ =	sdelay $0x4  }
0xe6: {  	v3 =	vmul.f32 v3, v52;
	_ =	sdelay $0x1  }
0xe7: {  	[tilespmem:s12+$0xFFFFFF20] =	vst v3;
	v3 =	vld [tilespmem:s12+$0xFFFFFF30];
	_ =	sdelay $0x4  }
0xe8: {  	v3 =	vmul.f32 v3, v52;
	_ =	sdelay $0x1  }
0xe9: {  	[tilespmem:s12+$0xFFFFFF30] =	vst v3;
	v3 =	vld [tilespmem:s12+$0xFFFFFF40];
	_ =	sdelay $0x2  }
0xea: {  	v53 =	vbroadcast v2, $0x5;
	_ =	sdelay $0x1  }
0xeb: {  	v3 =	vmul.f32 v3, v53;
	_ =	sdelay $0x1  }
0xec: {  	[tilespmem:s12+$0xFFFFFF40] =	vst v3;
	v3 =	vld [tilespmem:s12+$0xFFFFFF50];
	_ =	sdelay $0x4  }
0xed: {  	v3 =	vmul.f32 v3, v53;
	_ =	sdelay $0x1  }
0xee: {  	[tilespmem:s12+$0xFFFFFF50] =	vst v3;
	v3 =	vld [tilespmem:s12+$0xFFFFFF60];
	_ =	sdelay $0x4  }
0xef: {  	v3 =	vmul.f32 v3, v53;
	_ =	sdelay $0x1  }
0xf0: {  	[tilespmem:s12+$0xFFFFFF60] =	vst v3;
	v3 =	vld [tilespmem:s12+$0xFFFFFF70];
	_ =	sdelay $0x4  }
0xf1: {  	v3 =	vmul.f32 v3, v53;
	_ =	sdelay $0x1  }
0xf2: {  	[tilespmem:s12+$0xFFFFFF70] =	vst v3;
	v3 =	vld [tilespmem:s12+$0xFFFFFF80];
	_ =	sdelay $0x2  }
0xf3: {  	v54 =	vbroadcast v2, $0x6;
	_ =	sdelay $0x1  }
0xf4: {  	v3 =	vmul.f32 v3, v54;
	_ =	sdelay $0x1  }
0xf5: {  	[tilespmem:s12+$0xFFFFFF80] =	vst v3;
	v3 =	vld [tilespmem:s12+$0xFFFFFF90];
	_ =	sdelay $0x4  }
0xf6: {  	v3 =	vmul.f32 v3, v54;
	_ =	sdelay $0x1  }
0xf7: {  	[tilespmem:s12+$0xFFFFFF90] =	vst v3;
	v3 =	vld [tilespmem:s12+$0xFFFFFFA0];
	_ =	sdelay $0x4  }
0xf8: {  	v3 =	vmul.f32 v3, v54;
	_ =	sdelay $0x1  }
0xf9: {  	[tilespmem:s12+$0xFFFFFFA0] =	vst v3;
	v3 =	vld [tilespmem:s12+$0xFFFFFFB0];
	_ =	sdelay $0x4  }
0xfa: {  	v3 =	vmul.f32 v3, v54;
	_ =	sdelay $0x1  }
0xfb: {  	[tilespmem:s12+$0xFFFFFFB0] =	vst v3;
	v3 =	vld [tilespmem:s12+$0xFFFFFFC0];
	_ =	sdelay $0x2  }
0xfc: {  	v55 =	vbroadcast v2, $0x7;
	_ =	sdelay $0x1  }
0xfd: {  	v3 =	vmul.f32 v3, v55;
	_ =	sdelay $0x1  }
0xfe: {  	[tilespmem:s12+$0xFFFFFFC0] =	vst v3;
	v3 =	vld [tilespmem:s12+$0xFFFFFFD0];
	_ =	sdelay $0x4  }
0xff: {  	v3 =	vmul.f32 v3, v55;
	_ =	sdelay $0x1  }
0x100: {  	[tilespmem:s12+$0xFFFFFFD0] =	vst v3;
	v3 =	vld [tilespmem:s12+$0xFFFFFFE0];
	_ =	sdelay $0x4  }
0x101: {  	v3 =	vmul.f32 v3, v55;
	_ =	sdelay $0x1  }
0x102: {  	[tilespmem:s12+$0xFFFFFFE0] =	vst v3;
	v3 =	vld [tilespmem:s12+$0xFFFFFFF0];
	_ =	sdelay $0x4  }
0x103: {  	v3 =	vmul.f32 v3, v55;
	_ =	sdelay $0x1  }
0x104: {  	[tilespmem:s12+$0xFFFFFFF0] =	vst v3;
	v3 =	vld [tilespmem:s12+$0x0];
	_ =	sdelay $0x2  }
0x105: {  	v56 =	vbroadcast v2, $0x8;
	_ =	sdelay $0x1  }
0x106: {  	v3 =	vmul.f32 v3, v56;
	_ =	sdelay $0x1  }
0x107: {  	[tilespmem:s12+$0x0] =	vst v3;
	v3 =	vld [tilespmem:s12+$0x10];
	_ =	sdelay $0x4  }
0x108: {  	v3 =	vmul.f32 v3, v56;
	_ =	sdelay $0x1  }
0x109: {  	[tilespmem:s12+$0x10] =	vst v3;
	v3 =	vld [tilespmem:s12+$0x20];
	_ =	sdelay $0x4  }
0x10a: {  	v3 =	vmul.f32 v3, v56;
	_ =	sdelay $0x1  }
0x10b: {  	[tilespmem:s12+$0x20] =	vst v3;
	v3 =	vld [tilespmem:s12+$0x30];
	_ =	sdelay $0x4  }
0x10c: {  	v3 =	vmul.f32 v3, v56;
	_ =	sdelay $0x1  }
0x10d: {  	[tilespmem:s12+$0x30] =	vst v3;
	v3 =	vld [tilespmem:s12+$0x40];
	_ =	sdelay $0x2  }
0x10e: {  	v57 =	vbroadcast v2, $0x9;
	_ =	sdelay $0x1  }
0x10f: {  	v3 =	vmul.f32 v3, v57;
	_ =	sdelay $0x1  }
0x110: {  	[tilespmem:s12+$0x40] =	vst v3;
	v3 =	vld [tilespmem:s12+$0x50];
	_ =	sdelay $0x4  }
0x111: {  	v3 =	vmul.f32 v3, v57;
	_ =	sdelay $0x1  }
0x112: {  	[tilespmem:s12+$0x50] =	vst v3;
	v3 =	vld [tilespmem:s12+$0x60];
	_ =	sdelay $0x4  }
0x113: {  	v3 =	vmul.f32 v3, v57;
	_ =	sdelay $0x1  }
0x114: {  	[tilespmem:s12+$0x60] =	vst v3;
	v3 =	vld [tilespmem:s12+$0x70];
	_ =	sdelay $0x4  }
0x115: {  	v3 =	vmul.f32 v3, v57;
	_ =	sdelay $0x1  }
0x116: {  	[tilespmem:s12+$0x70] =	vst v3;
	v3 =	vld [tilespmem:s12+$0x80];
	_ =	sdelay $0x2  }
0x117: {  	v58 =	vbroadcast v2, $0xA;
	_ =	sdelay $0x1  }
0x118: {  	v3 =	vmul.f32 v3, v58;
	_ =	sdelay $0x1  }
0x119: {  	[tilespmem:s12+$0x80] =	vst v3;
	v3 =	vld [tilespmem:s12+$0x90];
	_ =	sdelay $0x4  }
0x11a: {  	v3 =	vmul.f32 v3, v58;
	_ =	sdelay $0x1  }
0x11b: {  	[tilespmem:s12+$0x90] =	vst v3;
	v3 =	vld [tilespmem:s12+$0xA0];
	_ =	sdelay $0x4  }
0x11c: {  	v3 =	vmul.f32 v3, v58;
	_ =	sdelay $0x1  }
0x11d: {  	[tilespmem:s12+$0xA0] =	vst v3;
	v3 =	vld [tilespmem:s12+$0xB0];
	_ =	sdelay $0x4  }
0x11e: {  	v3 =	vmul.f32 v3, v58;
	_ =	sdelay $0x1  }
0x11f: {  	[tilespmem:s12+$0xB0] =	vst v3;
	v3 =	vld [tilespmem:s12+$0xC0];
	_ =	sdelay $0x2  }
0x120: {  	v59 =	vbroadcast v2, $0xB;
	_ =	sdelay $0x1  }
0x121: {  	v3 =	vmul.f32 v3, v59;
	_ =	sdelay $0x1  }
0x122: {  	[tilespmem:s12+$0xC0] =	vst v3;
	v3 =	vld [tilespmem:s12+$0xD0];
	_ =	sdelay $0x4  }
0x123: {  	v3 =	vmul.f32 v3, v59;
	_ =	sdelay $0x1  }
0x124: {  	[tilespmem:s12+$0xD0] =	vst v3;
	v3 =	vld [tilespmem:s12+$0xE0];
	_ =	sdelay $0x4  }
0x125: {  	v3 =	vmul.f32 v3, v59;
	_ =	sdelay $0x1  }
0x126: {  	[tilespmem:s12+$0xE0] =	vst v3;
	v3 =	vld [tilespmem:s12+$0xF0];
	_ =	sdelay $0x4  }
0x127: {  	v3 =	vmul.f32 v3, v59;
	_ =	sdelay $0x1  }
0x128: {  	[tilespmem:s12+$0xF0] =	vst v3;
	v3 =	vld [tilespmem:s12+$0x100];
	_ =	sdelay $0x2  }
0x129: {  	v60 =	vbroadcast v2, $0xC;
	_ =	sdelay $0x1  }
0x12a: {  	v3 =	vmul.f32 v3, v60;
	_ =	sdelay $0x1  }
0x12b: {  	[tilespmem:s12+$0x100] =	vst v3;
	v3 =	vld [tilespmem:s12+$0x110];
	_ =	sdelay $0x4  }
0x12c: {  	v3 =	vmul.f32 v3, v60;
	_ =	sdelay $0x1  }
0x12d: {  	[tilespmem:s12+$0x110] =	vst v3;
	v3 =	vld [tilespmem:s12+$0x120];
	_ =	sdelay $0x4  }
0x12e: {  	v3 =	vmul.f32 v3, v60;
	_ =	sdelay $0x1  }
0x12f: {  	[tilespmem:s12+$0x120] =	vst v3;
	v3 =	vld [tilespmem:s12+$0x130];
	_ =	sdelay $0x4  }
0x130: {  	v3 =	vmul.f32 v3, v60;
	_ =	sdelay $0x1  }
0x131: {  	[tilespmem:s12+$0x130] =	vst v3;
	v3 =	vld [tilespmem:s12+$0x140];
	_ =	sdelay $0x2  }
0x132: {  	v61 =	vbroadcast v2, $0xD;
	_ =	sdelay $0x1  }
0x133: {  	v3 =	vmul.f32 v3, v61;
	_ =	sdelay $0x1  }
0x134: {  	[tilespmem:s12+$0x140] =	vst v3;
	v3 =	vld [tilespmem:s12+$0x150];
	_ =	sdelay $0x4  }
0x135: {  	v3 =	vmul.f32 v3, v61;
	_ =	sdelay $0x1  }
0x136: {  	[tilespmem:s12+$0x150] =	vst v3;
	v3 =	vld [tilespmem:s12+$0x160];
	_ =	sdelay $0x4  }
0x137: {  	v3 =	vmul.f32 v3, v61;
	_ =	sdelay $0x1  }
0x138: {  	[tilespmem:s12+$0x160] =	vst v3;
	v3 =	vld [tilespmem:s12+$0x170];
	_ =	sdelay $0x4  }
0x139: {  	v3 =	vmul.f32 v3, v61;
	_ =	sdelay $0x1  }
0x13a: {  	[tilespmem:s12+$0x170] =	vst v3;
	v3 =	vld [tilespmem:s12+$0x180];
	_ =	sdelay $0x2  }
0x13b: {  	v62 =	vbroadcast v2, $0xE;
	_ =	sdelay $0x1  }
0x13c: {  	v3 =	vmul.f32 v3, v62;
	_ =	sdelay $0x1  }
0x13d: {  	[tilespmem:s12+$0x180] =	vst v3;
	v3 =	vld [tilespmem:s12+$0x190];
	_ =	sdelay $0x4  }
0x13e: {  	v3 =	vmul.f32 v3, v62;
	_ =	sdelay $0x1  }
0x13f: {  	[tilespmem:s12+$0x190] =	vst v3;
	v3 =	vld [tilespmem:s12+$0x1A0];
	_ =	sdelay $0x4  }
0x140: {  	v3 =	vmul.f32 v3, v62;
	_ =	sdelay $0x1  }
0x141: {  	[tilespmem:s12+$0x1A0] =	vst v3;
	v3 =	vld [tilespmem:s12+$0x1B0];
	_ =	sdelay $0x4  }
0x142: {  	v3 =	vmul.f32 v3, v62;
	_ =	sdelay $0x1  }
0x143: {  	[tilespmem:s12+$0x1B0] =	vst v3;
	v3 =	vld [tilespmem:s12+$0x1C0];
	_ =	sdelay $0x2  }
0x144: {  	v2 =	vbroadcast v2, $0xF;
	_ =	sdelay $0x1  }
0x145: {  	v3 =	vmul.f32 v3, v2;
	_ =	sdelay $0x1  }
0x146: {  	[tilespmem:s12+$0x1C0] =	vst v3;
	v3 =	vld [tilespmem:s12+$0x1D0];
	_ =	sdelay $0x4  }
0x147: {  	v3 =	vmul.f32 v3, v2;
	_ =	sdelay $0x1  }
0x148: {  	[tilespmem:s12+$0x1D0] =	vst v3;
	v3 =	vld [tilespmem:s12+$0x1E0];
	_ =	sdelay $0x4  }
0x149: {  	v3 =	vmul.f32 v3, v2;
	_ =	sdelay $0x1  }
0x14a: {  	[tilespmem:s12+$0x1E0] =	vst v3;
	v3 =	vld [tilespmem:s12+$0x1F0];
	_ =	sdelay $0x1  }
0x14b: {  	p2 =	sne.s32 s13, $0x100  }
.Ltmp1:
0x14c: {  	_ = 	snop;
	(pc) =	sbr.rel @p2 .LBB2_5-.Ltmp1, $3  }
0x14d: {  	_ = 	snop  }
0x14e: {  	v2 =	vmul.f32 v3, v2;
	_ =	sdelay $0x1  }
0x14f: {  	s13 =	sadd.s32 $0x40, s13;
	[tilespmem:s12+$0x1F0] =	vst v2;
	s12 =	sadd.s32 $0x400, s12  }
0x150: {  	p2 =	sne.s32 s0, s3;
	s14 =	sadd.s32 $0x5, s7  }
0x151: {  	[spmem:s2] =	stream.indirect.scatter.add.f32 [tilespmem:s11], [sflag:s14], $0x40, s6, s28, $0xb8;
	v63 =	vld [tilespmem:$0x0]  }
0x152: {  	s0 =	simm.s32 @!p2 $0x50  }
0x153: {  	[spmem:s4] =	stream.indirect.scatter.add.f32 @!p2 [tilespmem:s10], [sflag:s19], $0x1, s6, s0, $0xb8;
	v63 =	vld [tilespmem:$0x0]  }
0x154: {  	s6 =	sadd.s32 $0x2, s31  }
0x155: {  	s0 =	sand.u32 $0x3, s6  }
0x156: {  	p2 =	sgt.u32 @!p1 s31, $0xF7;
	s7 =	sadd.s32 @!p1 $0x5, s0  }
0x157: {  	p2 =	por p1, !p2;
	_ =	swait.ge @!p1 [sflag:s7], $0x1400  }
0x158: {  	s31 =	sadd.s32 $0x1, s31;
	s6 =	smul.u32 @p2 $0x140, s6;
	[sflag:s7] =	ssyncset.done @!p1 $0x0  }
0x159: {  	[sflag:s7] =	ssyncadd.s32 @!p1 $0xFFFFEC00;
	s7 =	smul.u32 @p2 $0x5000, s0;
	p1 =	sne.s32 s31, $0xFA  }
.Ltmp2:
0x15a: {  	_ = 	snop;
	(pc) =	sbr.rel @p1 .LBB2_4-.Ltmp2, $4  }
0x15b: {  	p0 =	por !p0, !p0  }
0x15c: {  	s30 =	sadd.s32 $0x1, s30;
	s6 =	sshra.s32 @p2 s6, $0x2;
	s7 =	sshrl.u32 @p2 s7, $0x2  }
0x15d: {  	s6 =	sadd.s32 @p2 $0x4E20, s6;
	s0 =	sadd.s32 @p2 $0x1, s0;
	s7 =	sadd.s32 @p2 $0x10D80, s7  }
0x15e: {  	[tilespmem:s7], [sflag:s0] =	stream.indirect.gather @p2 [hbm4b:s16+s28], $0x40, s6, s28, $0xb8;
	v63 =	vld [tilespmem:$0x0]  }
0x15f: {  	_ =	swait.ge [sflag:s1], $0x1400  }
0x160: {  	[sflag:s1] =	ssyncset.done $0x0  }
0x161: {  	[sflag:s1] =	ssyncadd.s32 $0xFFFFEC00  }
0x162: {  	_ =	swait.ge [sflag:s26], $0x1400  }
0x163: {  	[sflag:s26] =	ssyncset.done $0x0  }
0x164: {  	[sflag:s26] =	ssyncadd.s32 $0xFFFFEC00  }
0x165: {  	_ =	swait.ge [sflag:s19], $0x50  }
0x166: {  	s0 =	stileid.u32;
	[sflag:s19] =	ssyncset.done $0x0  }
0x167: {  	s0 =	sshll.u32 s0, $0x6;
	[sflag:s19] =	ssyncadd.s32 $0xFFFFFFB0  }
0x168: {  	s6 =	sshrl.u32 s9, $0x3;
	s0 =	sor.u32 $0x1C0B, s0;
	[bflag:$0x0] =	sbarrier.arrive $0xFFFF  }
0x169: {  	[hbm:s17], [sflag:s0] =	dma.local [spmem:s6], $0x1400  }
0x16a: {  	s29 =	sadd.s32 $0x1, s29;
	_ =	swait.ge [sflag:s20], $0x1400  }
0x16b: {  	p0 =	sne.s32 s29, s18;
	[sflag:s20] =	ssyncset.done $0x0  }
.Ltmp3:
0x16c: {  	s31 =	sshrl.u32 s15, $0x3;
	[sflag:s20] =	ssyncadd.s32 $0xFFFFEC00;
	(pc) =	sbr.rel @p0 .LBB2_1-.Ltmp3, $4  }
0x16d: {  	[hbm:s24], [sflag:s0] =	dma.local [spmem:s31], $0x50  }
0x16e: {  	_ =	swait.ge [sflag:s20], $0x50  }
0x16f: {  	[sflag:s20] =	ssyncset.done $0x0  }
0x170: {  	[sflag:s20] =	ssyncadd.s32 $0xFFFFFFB0  }
0x171: {  	_ =	sfence.sel $0x180000  }
0x172: {  	[bflag:$0x0] =	sbarrier.arrive $0xFFFF  }
0x173: {  	_ =	strace $0x90000047  }
0x174: {  	s0 =	stileid.u32;
	[bflag:$0x2] =	sbarrier.arrive $0xFFFF  }
0x175: {  	p0 =	sne.s32 s0, $0x0;
	s0 =	rddreg [dreg:$0x4]  }
0x176: {  	s0 =	sadd.s32 @!p0 $0x100000, s0  }
0x177: {  	[sflag:s0] =	ssyncadd.tile.s32 @!p0 $0x1;
	_ =	shalt  }
.Lfunc_end2:
_tile_overlayer_lowered:
.L_overlay_start_2:
0x178: {  	(tag) =	ssettag $0x2  }
0x179: {  	s0 =	rddreg [dreg:$0x0];
	s2 =	stileid.u32  }
0x17a: {  	s1 =	rddreg [dreg:$0x1];
	p0 =	sne.s32 s2, $0x0  }
0x17b: {  	s3 =	rddreg [dreg:$0x2];
	[bflag:$0x3] =	sbarrier.arrive $0xFFFF;
	s2 =	simm.s32 @!p0 $0x1C0B  }
0x17c: {  	[timem:s3], [sflag:s2] =	dma.local @!p0 [hbm:s0], s1  }
0x17d: {  	s0 =	simm.s32 @!p0 $0xB  }
0x17e: {  	_ =	swait.ge @!p0 [sflag:s0], s1  }
0x17f: {  	s1 =	ssub.s32 @!p0 $0x0, s1;
	[sflag:s0] =	ssyncset.done @!p0 $0x0  }
0x180: {  	[sflag:s0] =	ssyncadd.s32 @!p0 s1  }
0x181: {  	[bflag:$0x3] =	sbarrier.arrive $0xFFFF  }
0x182: {  	_ =	shalt  }

</sc_bundles>
